<compile_context>
chip_gen: v7x
topology: tpu7x:2x2x1
jax: 0.10.2.dev20260603
libtpu: 0.0.44.dev20260713+nightly
codegen_flags: <defaults>
</compile_context>

<pallas_src>
import functools

import jax
import jax.numpy as jnp
from jax import lax
from jax.experimental import pallas as pl
from jax.experimental.pallas import tpu as pltpu
from jax.experimental.pallas import tpu_sc as plsc

N = 10000
E = 320000
D = 128
NG = 64
NC = 2
NS = 16
NW = NC * NS
L = 128
STEPS = (-(-E // (NW * L)) + 7) // 8 * 8
EPAD = NW * L * STEPS
NPAD = 10240
TROWS = NPAD // NS
R = 1024
GR = NPAD // R

_f32 = jnp.float32
_mesh = plsc.VectorSubcoreMesh(
    core_axis_name="c", subcore_axis_name="s", num_cores=NC, num_subcores=NS)



def _hist_body(cols_hbm, zeros_hbm, ones_hbm, out,
               cols_v, ones_v, hist):
    cid = lax.axis_index("c")
    sid = lax.axis_index("s")
    wid = cid * NS + sid
    sl = pl.ds(sid * TROWS, TROWS)
    pltpu.sync_copy(zeros_hbm, hist.at[sl])
    pltpu.sync_copy(cols_hbm.at[wid], cols_v)
    pltpu.sync_copy(ones_hbm, ones_v)
    plsc.subcore_barrier()

    def step(j, c):
        pltpu.sync_copy(ones_v, hist.at[cols_v.at[j]], add=True)
        return c
    lax.fori_loop(0, STEPS, step, 0)
    plsc.subcore_barrier()
    pltpu.sync_copy(hist.at[sl], out.at[pl.ds(cid * NPAD + sid * TROWS, TROWS)])


_hist_call = functools.partial(
    pl.kernel,
    out_type=jax.ShapeDtypeStruct((2 * NPAD, D), _f32),
    mesh=_mesh,
    scratch_types=[
        pltpu.VMEM((STEPS, L), jnp.int32),
        pltpu.VMEM((L, D), _f32),
        pltpu.VMEM_SHARED((NPAD, D), _f32),
    ],
)(_hist_body)


def _edge_body(y_hbm, rows_hbm, cols_hbm, zeros_hbm, out,
               rows_v, cols_v, buf, acc, sem):
    cid = lax.axis_index("c")
    sid = lax.axis_index("s")
    wid = cid * NS + sid
    sl = pl.ds(sid * TROWS, TROWS)
    pltpu.sync_copy(zeros_hbm, acc.at[sl])
    pltpu.sync_copy(rows_hbm.at[wid], rows_v)
    pltpu.sync_copy(cols_hbm.at[wid], cols_v)
    plsc.subcore_barrier()

    def step(j, c):
        pltpu.async_copy(y_hbm.at[rows_v.at[j]], buf, sem).wait()
        pltpu.sync_copy(buf, acc.at[cols_v.at[j]], add=True)
        return c
    lax.fori_loop(0, STEPS, step, 0)
    plsc.subcore_barrier()
    pltpu.sync_copy(acc.at[sl], out.at[pl.ds(cid * NPAD + sid * TROWS, TROWS)])


_edge_call = functools.partial(
    pl.kernel,
    out_type=jax.ShapeDtypeStruct((2 * NPAD, D), _f32),
    mesh=_mesh,
    scratch_types=[
        pltpu.VMEM((STEPS, L), jnp.int32),
        pltpu.VMEM((STEPS, L), jnp.int32),
        pltpu.VMEM((L, D), _f32),
        pltpu.VMEM_SHARED((NPAD, D), _f32),
        pltpu.SemaphoreType.DMA,
    ],
)(_edge_body)



def _mm_nt(a, b):
    return lax.dot_general(a, b, (((1,), (1,)), ((), ())),
                           precision=lax.Precision.DEFAULT,
                           preferred_element_type=_f32)


def _mm_nn(a, b):
    return lax.dot_general(a, b, (((1,), (0,)), ((), ())),
                           precision=lax.Precision.HIGHEST,
                           preferred_element_type=_f32)


def _pre_body(x_ref, w_ref, h0_ref, h1_ref, y_ref, dinv_ref):
    i = pl.program_id(0)
    deg = h0_ref[:, 0:1] + h1_ref[:, 0:1] + 2.0
    rid = i * R + lax.broadcasted_iota(jnp.int32, (R, 1), 0)
    dinv = jnp.where(rid < N, lax.rsqrt(deg), 0.0)
    dinv_ref[...] = dinv
    y_ref[...] = dinv * _mm_nt(x_ref[...], w_ref[...])


def _mid_body(a0_ref, a1_ref, y_ref, dinv_ref, b_ref, w_ref, yo_ref):
    dinv = dinv_ref[...]
    xn = jnp.maximum(
        dinv * (a0_ref[...] + a1_ref[...] + 2.0 * y_ref[...]) + b_ref[...],
        0.0)
    yo_ref[...] = dinv * _mm_nt(xn, w_ref[...])


def _final_body(a0_ref, a1_ref, y_ref, dinv_ref, b_ref, batch_ref,
                fc1w_ref, fc1b_ref, fc2w_ref, fc2b_ref, out_ref,
                sums, cnt):
    i = pl.program_id(0)

    @pl.when(i == 0)
    def _():
        sums[...] = jnp.zeros((NG, D), _f32)
        cnt[...] = jnp.zeros((NG, 1), _f32)

    dinv = dinv_ref[...]
    x3 = jnp.maximum(
        dinv * (a0_ref[...] + a1_ref[...] + 2.0 * y_ref[...]) + b_ref[...],
        0.0)
    gids = lax.broadcasted_iota(jnp.int32, (NG, 1), 0)
    mask = (batch_ref[...] == gids).astype(_f32)
    sums[...] += _mm_nn(mask, x3)
    cnt[...] += jnp.sum(mask, axis=1, keepdims=True)

    @pl.when(i == GR - 1)
    def _():
        pooled = sums[...] / jnp.maximum(cnt[...], 1.0)
        h = jnp.maximum(_mm_nt(pooled, fc1w_ref[...]) + fc1b_ref[...], 0.0)
        hb = h.astype(jnp.bfloat16).astype(_f32)
        wb = fc2w_ref[...].astype(jnp.bfloat16).astype(_f32)
        out_ref[...] = (jnp.sum(hb * wb, axis=1, keepdims=True)
                        + fc2b_ref[0, 0])


_row_spec = pl.BlockSpec((R, D), lambda i: (i, 0))
_a1_spec = pl.BlockSpec((R, D), lambda i: (GR + i, 0))
_w_spec = pl.BlockSpec((D, D), lambda i: (0, 0))
_dinv_spec = pl.BlockSpec((R, 1), lambda i: (i, 0))
_b_spec = pl.BlockSpec((1, D), lambda i: (0, 0))

_pre_call = pl.pallas_call(
    _pre_body,
    grid=(GR,),
    in_specs=[_row_spec, _w_spec, _row_spec, _a1_spec],
    out_specs=(_row_spec, _dinv_spec),
    out_shape=(jax.ShapeDtypeStruct((NPAD, D), _f32),
               jax.ShapeDtypeStruct((NPAD, 1), _f32)),
)

_mid_call = pl.pallas_call(
    _mid_body,
    grid=(GR,),
    in_specs=[_row_spec, _a1_spec, _row_spec, _dinv_spec, _b_spec, _w_spec],
    out_specs=_row_spec,
    out_shape=jax.ShapeDtypeStruct((NPAD, D), _f32),
)

_final_call = pl.pallas_call(
    _final_body,
    grid=(GR,),
    in_specs=[_row_spec, _a1_spec, _row_spec, _dinv_spec, _b_spec,
              pl.BlockSpec((1, R), lambda i: (0, i)),
              _w_spec, _b_spec,
              pl.BlockSpec((1, D), lambda i: (0, 0)),
              pl.BlockSpec((1, 1), lambda i: (0, 0))],
    out_specs=pl.BlockSpec((NG, 1), lambda i: (0, 0)),
    out_shape=jax.ShapeDtypeStruct((NG, 1), _f32),
    scratch_shapes=[pltpu.VMEM((NG, D), _f32), pltpu.VMEM((NG, 1), _f32)],
)



def kernel(x, edge_index, batch, batch_size, W0, b0, W1, b1, W2, b2,
           fc1_W, fc1_b, fc2_W, fc2_b):
    x_pad = jnp.pad(x, ((0, NPAD - N), (0, 0)))
    dummy = N + jnp.arange(EPAD - E, dtype=jnp.int32) % (NPAD - N)
    rows = jnp.concatenate([edge_index[0], dummy]).reshape(NW, STEPS, L)
    cols = jnp.concatenate([edge_index[1], dummy]).reshape(NW, STEPS, L)
    batch_row = jnp.pad(batch, (0, NPAD - N),
                        constant_values=NG).reshape(1, NPAD)
    onesD = jnp.ones((L, D), _f32)
    zerosD = jnp.zeros((TROWS, D), _f32)

    hh = _hist_call(cols, zerosD, onesD)
    y, dinv = _pre_call(x_pad, W0, hh, hh)
    aa = _edge_call(y, rows, cols, zerosD)
    y = _mid_call(aa, aa, y, dinv, b0.reshape(1, D), W1)
    aa = _edge_call(y, rows, cols, zerosD)
    y = _mid_call(aa, aa, y, dinv, b1.reshape(1, D), W2)
    aa = _edge_call(y, rows, cols, zerosD)
    out = _final_call(aa, aa, y, dinv, b2.reshape(1, D), batch_row,
                      fc1_W, fc1_b.reshape(1, D), fc2_W,
                      fc2_b.reshape(1, 1))
    return out[:, 0]

# --- scband reference (transcript-rebuilt; emitter-appended) ---
"""Pipeline reference for scband-message-passing-gnn-1116691496963 (READ-ONLY COPY).

The authoritative reference and input builder live on the scoring server;
editing this copy changes nothing except your own understanding.
"""

import jax, jax.numpy as jnp
import numpy as np

N = 10000
E = 320000
D_IN = 128
F = 128
B = 64


def setup_inputs(seed: int = 0):
    key = jax.random.key(seed)
    ks = jax.random.split(key, 16)
    x = jax.random.normal(ks[0], (N, D_IN), dtype=jnp.float32)
    edge_index = jax.random.randint(ks[1], (2, E), 0, N, dtype=jnp.int32)
    batch = jnp.sort(jax.random.randint(ks[2], (N,), 0, B, dtype=jnp.int32))
    # GCNConv weights: lin.weight [out, in], bias [out]
    W0 = jax.random.normal(ks[3], (F, D_IN), dtype=jnp.float32) * 0.05
    b0 = jnp.zeros((F,), dtype=jnp.float32)
    W1 = jax.random.normal(ks[4], (F, F), dtype=jnp.float32) * 0.05
    b1 = jnp.zeros((F,), dtype=jnp.float32)
    W2 = jax.random.normal(ks[5], (F, F), dtype=jnp.float32) * 0.05
    b2 = jnp.zeros((F,), dtype=jnp.float32)
    fc1_W = jax.random.normal(ks[6], (F, F), dtype=jnp.float32) * 0.05
    fc1_b = jnp.zeros((F,), dtype=jnp.float32)
    fc2_W = jax.random.normal(ks[7], (1, F), dtype=jnp.float32) * 0.05
    fc2_b = jnp.zeros((1,), dtype=jnp.float32)
    return {"x": x, "edge_index": edge_index, "batch": batch, "batch_size": B,
            "W0": W0, "b0": b0, "W1": W1, "b1": b1, "W2": W2, "b2": b2,
            "fc1_W": fc1_W, "fc1_b": fc1_b, "fc2_W": fc2_W, "fc2_b": fc2_b}


def gcn_conv(x, edge_index, W, b, n_nodes):
    # PyG GCNConv with improved=True: self-loop fill value 2.0
    x = x @ W.T
    loop = jnp.arange(n_nodes, dtype=edge_index.dtype)
    row = jnp.concatenate([edge_index[0], loop])
    col = jnp.concatenate([edge_index[1], loop])
    ew = jnp.concatenate([jnp.ones((edge_index.shape[1],), dtype=x.dtype),
                          jnp.full((n_nodes,), 2.0, dtype=x.dtype)])
    deg = jnp.zeros((n_nodes,), dtype=x.dtype).at[col].add(ew)
    dinv = jnp.where(deg > 0, deg ** -0.5, 0.0)
    norm = dinv[row] * ew * dinv[col]
    out = jnp.zeros_like(x).at[col].add(norm[:, None] * x[row])
    return out + b


def reference(x, edge_index, batch, batch_size, W0, b0, W1, b1, W2, b2,
              fc1_W, fc1_b, fc2_W, fc2_b):
    n_nodes = x.shape[0]
    # conv stack: n_rounds=2 -> 3 GCNConv layers; dropout is identity in eval
    for (W, b) in ((W0, b0), (W1, b1), (W2, b2)):
        x = gcn_conv(x, edge_index, W, b, n_nodes)
        x = jax.nn.relu(x)
    # global_mean_pool with size=batch_size
    batch_ids = jnp.minimum(batch, batch_size - 1)
    sums = jax.ops.segment_sum(x, batch_ids, num_segments=B)
    counts = jax.ops.segment_sum(jnp.ones((n_nodes,), dtype=x.dtype), batch_ids,
                                 num_segments=B)
    pooled = sums / jnp.maximum(counts, 1.0)[:, None]
    h = jax.nn.relu(pooled @ fc1_W.T + fc1_b)
    out = h @ fc2_W.T + fc2_b
    return out[:, 0]

if __name__ == "__main__":
    import jax
    _d = setup_inputs()
    print(jax.jit(kernel)(*tuple(_d.values())))

</pallas_src>

<mosaic_0001>
#map = affine_map<(d0, d1) -> (0, 0)>
#map1 = affine_map<(d0, d1) -> (0, 0, 0)>
module attributes {stable_mosaic.version = 14 : i64} {
  func.func @_edge_body(%arg0: i32, %arg1: i32, %arg2: memref<10240x128xf32, #tpu.memory_space<hbm>>, %arg3: memref<32x80x128xi32, #tpu.memory_space<hbm>>, %arg4: memref<32x80x128xi32, #tpu.memory_space<hbm>>, %arg5: memref<640x128xf32, #tpu.memory_space<hbm>>, %arg6: memref<20480x128xf32, #tpu.memory_space<hbm>>, %arg7: memref<80x128xi32, #tpu.memory_space<vmem>>, %arg8: memref<80x128xi32, #tpu.memory_space<vmem>>, %arg9: memref<128x128xf32, #tpu.memory_space<vmem>>, %arg10: memref<10240x128xf32, #tpu.memory_space<vmem_shared>>, %arg11: memref<!tpu.dma_semaphore, #tpu.memory_space<semaphore_mem>>) attributes {dimension_semantics = [#tpu.dimension_semantics<core_parallel>, #tpu.dimension_semantics<subcore_parallel>], iteration_bounds = array<i64: 2, 16>, scalar_prefetch = 0 : i64, scratch_operands = 5 : i64, tpu.core_type = #tpu.core_type<sc_vector_subcore>, window_params = [{transform_indices = #map}, {transform_indices = #map1}, {transform_indices = #map1}, {transform_indices = #map}, {transform_indices = #map}]} {
    %mul3A = arith.constant 16 : i32
    %mul3A_0 = arith.muli %arg0, %mul3A : i32
    %add3A = arith.addi %mul3A_0, %arg1 : i32
    %mul3A_1 = arith.constant 640 : i32
    %mul3A_2 = arith.muli %arg1, %mul3A_1 : i32
    "tpu.region"() ({
      %run_scoped3A = tpu.sem_alloc : memref<!tpu.dma_semaphore, #tpu.memory_space<semaphore_mem>>
      %dma_start3A = arith.constant 0 : i32
      %dma_start3A_14 = tpu.memref_slice %arg10[%mul3A_2, %dma_start3A] : memref<10240x128xf32, #tpu.memory_space<vmem_shared>> -> memref<640x128xf32, #tpu.memory_space<vmem_shared>>
      tpu.enqueue_dma source(%arg5 : memref<640x128xf32, #tpu.memory_space<hbm>>) target(%dma_start3A_14 : memref<640x128xf32, #tpu.memory_space<vmem_shared>>) target_semaphore(%run_scoped3A : memref<!tpu.dma_semaphore, #tpu.memory_space<semaphore_mem>>)
      %dma_wait3A = arith.constant 0 : i32
      %dma_wait3A_15 = tpu.memref_slice %arg10[%mul3A_2, %dma_wait3A] : memref<10240x128xf32, #tpu.memory_space<vmem_shared>> -> memref<640x128xf32, #tpu.memory_space<vmem_shared>>
      tpu.wait_dma2 semaphore(%run_scoped3A : memref<!tpu.dma_semaphore, #tpu.memory_space<semaphore_mem>>) src(%arg5 : memref<640x128xf32, #tpu.memory_space<hbm>>) dst(%dma_wait3A_15 : memref<640x128xf32, #tpu.memory_space<vmem_shared>>)
      tpu.yield
    }) : () -> ()
    "tpu.region"() ({
      %run_scoped3A = tpu.sem_alloc : memref<!tpu.dma_semaphore, #tpu.memory_space<semaphore_mem>>
      %dma_start3A = arith.constant 0 : i32
      %dma_start3A_14 = arith.constant 0 : i32
      %dma_start3A_15 = tpu.memref_slice %arg3[%add3A, %dma_start3A, %dma_start3A_14] : memref<32x80x128xi32, #tpu.memory_space<hbm>> -> memref<1x80x128xi32, #tpu.memory_space<hbm>>
      %dma_start3A_16 = tpu.memref_squeeze %dma_start3A_15 : memref<1x80x128xi32, #tpu.memory_space<hbm>> -> memref<80x128xi32, #tpu.memory_space<hbm>>
      %dma_start3A_17 = arith.constant 0 : i32
      %dma_start3A_18 = arith.constant 0 : i32
      %dma_start3A_19 = tpu.memref_slice %arg3[%add3A, %dma_start3A_17, %dma_start3A_18] : memref<32x80x128xi32, #tpu.memory_space<hbm>> -> memref<1x80x128xi32, #tpu.memory_space<hbm>>
      %dma_start3A_20 = tpu.memref_squeeze %dma_start3A_19 : memref<1x80x128xi32, #tpu.memory_space<hbm>> -> memref<80x128xi32, #tpu.memory_space<hbm>>
      tpu.enqueue_dma source(%dma_start3A_20 : memref<80x128xi32, #tpu.memory_space<hbm>>) target(%arg7 : memref<80x128xi32, #tpu.memory_space<vmem>>) target_semaphore(%run_scoped3A : memref<!tpu.dma_semaphore, #tpu.memory_space<semaphore_mem>>)
      %dma_wait3A = arith.constant 0 : i32
      %dma_wait3A_21 = arith.constant 0 : i32
      %dma_wait3A_22 = tpu.memref_slice %arg3[%add3A, %dma_wait3A, %dma_wait3A_21] : memref<32x80x128xi32, #tpu.memory_space<hbm>> -> memref<1x80x128xi32, #tpu.memory_space<hbm>>
      %dma_wait3A_23 = tpu.memref_squeeze %dma_wait3A_22 : memref<1x80x128xi32, #tpu.memory_space<hbm>> -> memref<80x128xi32, #tpu.memory_space<hbm>>
      %dma_wait3A_24 = arith.constant 0 : i32
      %dma_wait3A_25 = arith.constant 0 : i32
      %dma_wait3A_26 = tpu.memref_slice %arg3[%add3A, %dma_wait3A_24, %dma_wait3A_25] : memref<32x80x128xi32, #tpu.memory_space<hbm>> -> memref<1x80x128xi32, #tpu.memory_space<hbm>>
      %dma_wait3A_27 = tpu.memref_squeeze %dma_wait3A_26 : memref<1x80x128xi32, #tpu.memory_space<hbm>> -> memref<80x128xi32, #tpu.memory_space<hbm>>
      tpu.wait_dma2 semaphore(%run_scoped3A : memref<!tpu.dma_semaphore, #tpu.memory_space<semaphore_mem>>) src(%dma_wait3A_27 : memref<80x128xi32, #tpu.memory_space<hbm>>) dst(%arg7 : memref<80x128xi32, #tpu.memory_space<vmem>>)
      tpu.yield
    }) : () -> ()
    "tpu.region"() ({
      %run_scoped3A = tpu.sem_alloc : memref<!tpu.dma_semaphore, #tpu.memory_space<semaphore_mem>>
      %dma_start3A = arith.constant 0 : i32
      %dma_start3A_14 = arith.constant 0 : i32
      %dma_start3A_15 = tpu.memref_slice %arg4[%add3A, %dma_start3A, %dma_start3A_14] : memref<32x80x128xi32, #tpu.memory_space<hbm>> -> memref<1x80x128xi32, #tpu.memory_space<hbm>>
      %dma_start3A_16 = tpu.memref_squeeze %dma_start3A_15 : memref<1x80x128xi32, #tpu.memory_space<hbm>> -> memref<80x128xi32, #tpu.memory_space<hbm>>
      %dma_start3A_17 = arith.constant 0 : i32
      %dma_start3A_18 = arith.constant 0 : i32
      %dma_start3A_19 = tpu.memref_slice %arg4[%add3A, %dma_start3A_17, %dma_start3A_18] : memref<32x80x128xi32, #tpu.memory_space<hbm>> -> memref<1x80x128xi32, #tpu.memory_space<hbm>>
      %dma_start3A_20 = tpu.memref_squeeze %dma_start3A_19 : memref<1x80x128xi32, #tpu.memory_space<hbm>> -> memref<80x128xi32, #tpu.memory_space<hbm>>
      tpu.enqueue_dma source(%dma_start3A_20 : memref<80x128xi32, #tpu.memory_space<hbm>>) target(%arg8 : memref<80x128xi32, #tpu.memory_space<vmem>>) target_semaphore(%run_scoped3A : memref<!tpu.dma_semaphore, #tpu.memory_space<semaphore_mem>>)
      %dma_wait3A = arith.constant 0 : i32
      %dma_wait3A_21 = arith.constant 0 : i32
      %dma_wait3A_22 = tpu.memref_slice %arg4[%add3A, %dma_wait3A, %dma_wait3A_21] : memref<32x80x128xi32, #tpu.memory_space<hbm>> -> memref<1x80x128xi32, #tpu.memory_space<hbm>>
      %dma_wait3A_23 = tpu.memref_squeeze %dma_wait3A_22 : memref<1x80x128xi32, #tpu.memory_space<hbm>> -> memref<80x128xi32, #tpu.memory_space<hbm>>
      %dma_wait3A_24 = arith.constant 0 : i32
      %dma_wait3A_25 = arith.constant 0 : i32
      %dma_wait3A_26 = tpu.memref_slice %arg4[%add3A, %dma_wait3A_24, %dma_wait3A_25] : memref<32x80x128xi32, #tpu.memory_space<hbm>> -> memref<1x80x128xi32, #tpu.memory_space<hbm>>
      %dma_wait3A_27 = tpu.memref_squeeze %dma_wait3A_26 : memref<1x80x128xi32, #tpu.memory_space<hbm>> -> memref<80x128xi32, #tpu.memory_space<hbm>>
      tpu.wait_dma2 semaphore(%run_scoped3A : memref<!tpu.dma_semaphore, #tpu.memory_space<semaphore_mem>>) src(%dma_wait3A_27 : memref<80x128xi32, #tpu.memory_space<hbm>>) dst(%arg8 : memref<80x128xi32, #tpu.memory_space<vmem>>)
      tpu.yield
    }) : () -> ()
    %barrier3A = arith.constant 0 : index
    tpu.barrier barrier_id(%barrier3A)
    %scan3A = arith.constant 0 : i32
    %scan3A_3 = arith.constant 0 : i32
    %scan3A_4 = arith.constant 80 : i32
    %scan3A_5 = arith.addi %scan3A_3, %scan3A_4 : i32
    %scan3A_6 = arith.constant 1 : i32
    scf.for %scan3A_14 = %scan3A_3 to %scan3A_5 step %scan3A_6  : i32 {
      %dma_start3A = arith.constant 0 : i32
      %dma_start3A_15 = tpu.memref_slice %arg7[%scan3A_14, %dma_start3A] : memref<80x128xi32, #tpu.memory_space<vmem>> -> memref<1x128xi32, #tpu.memory_space<vmem>>
      %dma_start3A_16 = tpu.memref_squeeze %dma_start3A_15 : memref<1x128xi32, #tpu.memory_space<vmem>> -> memref<128xi32, #tpu.memory_space<vmem>>
      %dma_start3A_17 = arith.constant 0 : i32
      %dma_start3A_18 = arith.constant 0 : i32
      %dma_start3A_19 = tpu.memref_slice %arg2[%dma_start3A_17, %dma_start3A_18] : memref<10240x128xf32, #tpu.memory_space<hbm>> -> memref<10240x128xf32, #tpu.memory_space<hbm>>
      tpu.enqueue_indirect_dma source(%dma_start3A_19 : memref<10240x128xf32, #tpu.memory_space<hbm>>) target(%arg9 : memref<128x128xf32, #tpu.memory_space<vmem>>) offsets(%dma_start3A_16 : memref<128xi32, #tpu.memory_space<vmem>>) semaphore(%arg11 : memref<!tpu.dma_semaphore, #tpu.memory_space<semaphore_mem>>)
      %dma_wait3A = arith.constant 0 : i32
      %dma_wait3A_20 = tpu.memref_slice %arg7[%scan3A_14, %dma_wait3A] : memref<80x128xi32, #tpu.memory_space<vmem>> -> memref<1x128xi32, #tpu.memory_space<vmem>>
      %dma_wait3A_21 = tpu.memref_squeeze %dma_wait3A_20 : memref<1x128xi32, #tpu.memory_space<vmem>> -> memref<128xi32, #tpu.memory_space<vmem>>
      %dma_wait3A_22 = arith.constant 0 : i32
      %dma_wait3A_23 = arith.constant 0 : i32
      %dma_wait3A_24 = tpu.memref_slice %arg2[%dma_wait3A_22, %dma_wait3A_23] : memref<10240x128xf32, #tpu.memory_space<hbm>> -> memref<10240x128xf32, #tpu.memory_space<hbm>>
      tpu.wait_indirect_dma semaphore(%arg11 : memref<!tpu.dma_semaphore, #tpu.memory_space<semaphore_mem>>) src(%dma_wait3A_24 : memref<10240x128xf32, #tpu.memory_space<hbm>>) dst(%arg9 : memref<128x128xf32, #tpu.memory_space<vmem>>)
      "tpu.region"() ({
        %run_scoped3A = tpu.sem_alloc : memref<!tpu.dma_semaphore, #tpu.memory_space<semaphore_mem>>
        %dma_start3A_25 = arith.constant 0 : i32
        %dma_start3A_26 = tpu.memref_slice %arg8[%scan3A_14, %dma_start3A_25] : memref<80x128xi32, #tpu.memory_space<vmem>> -> memref<1x128xi32, #tpu.memory_space<vmem>>
        %dma_start3A_27 = tpu.memref_squeeze %dma_start3A_26 : memref<1x128xi32, #tpu.memory_space<vmem>> -> memref<128xi32, #tpu.memory_space<vmem>>
        %dma_start3A_28 = arith.constant 0 : i32
        %dma_start3A_29 = arith.constant 0 : i32
        %dma_start3A_30 = tpu.memref_slice %arg10[%dma_start3A_28, %dma_start3A_29] : memref<10240x128xf32, #tpu.memory_space<vmem_shared>> -> memref<10240x128xf32, #tpu.memory_space<vmem_shared>>
        tpu.enqueue_indirect_dma source(%arg9 : memref<128x128xf32, #tpu.memory_space<vmem>>) target(%dma_start3A_30 : memref<10240x128xf32, #tpu.memory_space<vmem_shared>>) offsets(%dma_start3A_27 : memref<128xi32, #tpu.memory_space<vmem>>) semaphore(%run_scoped3A : memref<!tpu.dma_semaphore, #tpu.memory_space<semaphore_mem>>) {add = true}
        %dma_wait3A_31 = arith.constant 0 : i32
        %dma_wait3A_32 = tpu.memref_slice %arg8[%scan3A_14, %dma_wait3A_31] : memref<80x128xi32, #tpu.memory_space<vmem>> -> memref<1x128xi32, #tpu.memory_space<vmem>>
        %dma_wait3A_33 = tpu.memref_squeeze %dma_wait3A_32 : memref<1x128xi32, #tpu.memory_space<vmem>> -> memref<128xi32, #tpu.memory_space<vmem>>
        %dma_wait3A_34 = arith.constant 0 : i32
        %dma_wait3A_35 = arith.constant 0 : i32
        %dma_wait3A_36 = tpu.memref_slice %arg10[%dma_wait3A_34, %dma_wait3A_35] : memref<10240x128xf32, #tpu.memory_space<vmem_shared>> -> memref<10240x128xf32, #tpu.memory_space<vmem_shared>>
        tpu.wait_indirect_dma semaphore(%run_scoped3A : memref<!tpu.dma_semaphore, #tpu.memory_space<semaphore_mem>>) src(%arg9 : memref<128x128xf32, #tpu.memory_space<vmem>>) dst(%dma_wait3A_36 : memref<10240x128xf32, #tpu.memory_space<vmem_shared>>)
        tpu.yield
      }) : () -> ()
    }
    %scan3A_7 = arith.constant 80 : i32
    %barrier3A_8 = arith.constant 0 : index
    tpu.barrier barrier_id(%barrier3A_8)
    %mul3A_9 = arith.constant 10240 : i32
    %mul3A_10 = arith.muli %arg0, %mul3A_9 : i32
    %mul3A_11 = arith.constant 640 : i32
    %mul3A_12 = arith.muli %arg1, %mul3A_11 : i32
    %add3A_13 = arith.addi %mul3A_10, %mul3A_12 : i32
    "tpu.region"() ({
      %run_scoped3A = tpu.sem_alloc : memref<!tpu.dma_semaphore, #tpu.memory_space<semaphore_mem>>
      %dma_start3A = arith.constant 0 : i32
      %dma_start3A_14 = tpu.memref_slice %arg6[%add3A_13, %dma_start3A] : memref<20480x128xf32, #tpu.memory_space<hbm>> -> memref<640x128xf32, #tpu.memory_space<hbm>>
      %dma_start3A_15 = arith.constant 0 : i32
      %dma_start3A_16 = tpu.memref_slice %arg10[%mul3A_2, %dma_start3A_15] : memref<10240x128xf32, #tpu.memory_space<vmem_shared>> -> memref<640x128xf32, #tpu.memory_space<vmem_shared>>
      tpu.enqueue_dma source(%dma_start3A_16 : memref<640x128xf32, #tpu.memory_space<vmem_shared>>) target(%dma_start3A_14 : memref<640x128xf32, #tpu.memory_space<hbm>>) target_semaphore(%run_scoped3A : memref<!tpu.dma_semaphore, #tpu.memory_space<semaphore_mem>>)
      %dma_wait3A = arith.constant 0 : i32
      %dma_wait3A_17 = tpu.memref_slice %arg6[%add3A_13, %dma_wait3A] : memref<20480x128xf32, #tpu.memory_space<hbm>> -> memref<640x128xf32, #tpu.memory_space<hbm>>
      %dma_wait3A_18 = arith.constant 0 : i32
      %dma_wait3A_19 = tpu.memref_slice %arg10[%mul3A_2, %dma_wait3A_18] : memref<10240x128xf32, #tpu.memory_space<vmem_shared>> -> memref<640x128xf32, #tpu.memory_space<vmem_shared>>
      tpu.wait_dma2 semaphore(%run_scoped3A : memref<!tpu.dma_semaphore, #tpu.memory_space<semaphore_mem>>) src(%dma_wait3A_19 : memref<640x128xf32, #tpu.memory_space<vmem_shared>>) dst(%dma_wait3A_17 : memref<640x128xf32, #tpu.memory_space<hbm>>)
      tpu.yield
    }) : () -> ()
    return
  }
}

#map = affine_map<(d0, d1) -> (0, 0, 0)>
#map1 = affine_map<(d0, d1) -> (0, 0)>
module attributes {stable_mosaic.version = 14 : i64} {
  func.func @_hist_body(%arg0: i32, %arg1: i32, %arg2: memref<32x80x128xi32, #tpu.memory_space<hbm>>, %arg3: memref<640x128xf32, #tpu.memory_space<hbm>>, %arg4: memref<128x128xf32, #tpu.memory_space<hbm>>, %arg5: memref<20480x128xf32, #tpu.memory_space<hbm>>, %arg6: memref<80x128xi32, #tpu.memory_space<vmem>>, %arg7: memref<128x128xf32, #tpu.memory_space<vmem>>, %arg8: memref<10240x128xf32, #tpu.memory_space<vmem_shared>>) attributes {dimension_semantics = [#tpu.dimension_semantics<core_parallel>, #tpu.dimension_semantics<subcore_parallel>], iteration_bounds = array<i64: 2, 16>, scalar_prefetch = 0 : i64, scratch_operands = 3 : i64, tpu.core_type = #tpu.core_type<sc_vector_subcore>, window_params = [{transform_indices = #map}, {transform_indices = #map1}, {transform_indices = #map1}, {transform_indices = #map1}]} {
    %mul3A = arith.constant 16 : i32
    %mul3A_0 = arith.muli %arg0, %mul3A : i32
    %add3A = arith.addi %mul3A_0, %arg1 : i32
    %mul3A_1 = arith.constant 640 : i32
    %mul3A_2 = arith.muli %arg1, %mul3A_1 : i32
    "tpu.region"() ({
      %run_scoped3A = tpu.sem_alloc : memref<!tpu.dma_semaphore, #tpu.memory_space<semaphore_mem>>
      %dma_start3A = arith.constant 0 : i32
      %dma_start3A_14 = tpu.memref_slice %arg8[%mul3A_2, %dma_start3A] : memref<10240x128xf32, #tpu.memory_space<vmem_shared>> -> memref<640x128xf32, #tpu.memory_space<vmem_shared>>
      tpu.enqueue_dma source(%arg3 : memref<640x128xf32, #tpu.memory_space<hbm>>) target(%dma_start3A_14 : memref<640x128xf32, #tpu.memory_space<vmem_shared>>) target_semaphore(%run_scoped3A : memref<!tpu.dma_semaphore, #tpu.memory_space<semaphore_mem>>)
      %dma_wait3A = arith.constant 0 : i32
      %dma_wait3A_15 = tpu.memref_slice %arg8[%mul3A_2, %dma_wait3A] : memref<10240x128xf32, #tpu.memory_space<vmem_shared>> -> memref<640x128xf32, #tpu.memory_space<vmem_shared>>
      tpu.wait_dma2 semaphore(%run_scoped3A : memref<!tpu.dma_semaphore, #tpu.memory_space<semaphore_mem>>) src(%arg3 : memref<640x128xf32, #tpu.memory_space<hbm>>) dst(%dma_wait3A_15 : memref<640x128xf32, #tpu.memory_space<vmem_shared>>)
      tpu.yield
    }) : () -> ()
    "tpu.region"() ({
      %run_scoped3A = tpu.sem_alloc : memref<!tpu.dma_semaphore, #tpu.memory_space<semaphore_mem>>
      %dma_start3A = arith.constant 0 : i32
      %dma_start3A_14 = arith.constant 0 : i32
      %dma_start3A_15 = tpu.memref_slice %arg2[%add3A, %dma_start3A, %dma_start3A_14] : memref<32x80x128xi32, #tpu.memory_space<hbm>> -> memref<1x80x128xi32, #tpu.memory_space<hbm>>
      %dma_start3A_16 = tpu.memref_squeeze %dma_start3A_15 : memref<1x80x128xi32, #tpu.memory_space<hbm>> -> memref<80x128xi32, #tpu.memory_space<hbm>>
      %dma_start3A_17 = arith.constant 0 : i32
      %dma_start3A_18 = arith.constant 0 : i32
      %dma_start3A_19 = tpu.memref_slice %arg2[%add3A, %dma_start3A_17, %dma_start3A_18] : memref<32x80x128xi32, #tpu.memory_space<hbm>> -> memref<1x80x128xi32, #tpu.memory_space<hbm>>
      %dma_start3A_20 = tpu.memref_squeeze %dma_start3A_19 : memref<1x80x128xi32, #tpu.memory_space<hbm>> -> memref<80x128xi32, #tpu.memory_space<hbm>>
      tpu.enqueue_dma source(%dma_start3A_20 : memref<80x128xi32, #tpu.memory_space<hbm>>) target(%arg6 : memref<80x128xi32, #tpu.memory_space<vmem>>) target_semaphore(%run_scoped3A : memref<!tpu.dma_semaphore, #tpu.memory_space<semaphore_mem>>)
      %dma_wait3A = arith.constant 0 : i32
      %dma_wait3A_21 = arith.constant 0 : i32
      %dma_wait3A_22 = tpu.memref_slice %arg2[%add3A, %dma_wait3A, %dma_wait3A_21] : memref<32x80x128xi32, #tpu.memory_space<hbm>> -> memref<1x80x128xi32, #tpu.memory_space<hbm>>
      %dma_wait3A_23 = tpu.memref_squeeze %dma_wait3A_22 : memref<1x80x128xi32, #tpu.memory_space<hbm>> -> memref<80x128xi32, #tpu.memory_space<hbm>>
      %dma_wait3A_24 = arith.constant 0 : i32
      %dma_wait3A_25 = arith.constant 0 : i32
      %dma_wait3A_26 = tpu.memref_slice %arg2[%add3A, %dma_wait3A_24, %dma_wait3A_25] : memref<32x80x128xi32, #tpu.memory_space<hbm>> -> memref<1x80x128xi32, #tpu.memory_space<hbm>>
      %dma_wait3A_27 = tpu.memref_squeeze %dma_wait3A_26 : memref<1x80x128xi32, #tpu.memory_space<hbm>> -> memref<80x128xi32, #tpu.memory_space<hbm>>
      tpu.wait_dma2 semaphore(%run_scoped3A : memref<!tpu.dma_semaphore, #tpu.memory_space<semaphore_mem>>) src(%dma_wait3A_27 : memref<80x128xi32, #tpu.memory_space<hbm>>) dst(%arg6 : memref<80x128xi32, #tpu.memory_space<vmem>>)
      tpu.yield
    }) : () -> ()
    "tpu.region"() ({
      %run_scoped3A = tpu.sem_alloc : memref<!tpu.dma_semaphore, #tpu.memory_space<semaphore_mem>>
      tpu.enqueue_dma source(%arg4 : memref<128x128xf32, #tpu.memory_space<hbm>>) target(%arg7 : memref<128x128xf32, #tpu.memory_space<vmem>>) target_semaphore(%run_scoped3A : memref<!tpu.dma_semaphore, #tpu.memory_space<semaphore_mem>>)
      tpu.wait_dma2 semaphore(%run_scoped3A : memref<!tpu.dma_semaphore, #tpu.memory_space<semaphore_mem>>) src(%arg4 : memref<128x128xf32, #tpu.memory_space<hbm>>) dst(%arg7 : memref<128x128xf32, #tpu.memory_space<vmem>>)
      tpu.yield
    }) : () -> ()
    %barrier3A = arith.constant 0 : index
    tpu.barrier barrier_id(%barrier3A)
    %scan3A = arith.constant 0 : i32
    %scan3A_3 = arith.constant 0 : i32
    %scan3A_4 = arith.constant 80 : i32
    %scan3A_5 = arith.addi %scan3A_3, %scan3A_4 : i32
    %scan3A_6 = arith.constant 1 : i32
    scf.for %scan3A_14 = %scan3A_3 to %scan3A_5 step %scan3A_6  : i32 {
      "tpu.region"() ({
        %run_scoped3A = tpu.sem_alloc : memref<!tpu.dma_semaphore, #tpu.memory_space<semaphore_mem>>
        %dma_start3A = arith.constant 0 : i32
        %dma_start3A_15 = tpu.memref_slice %arg6[%scan3A_14, %dma_start3A] : memref<80x128xi32, #tpu.memory_space<vmem>> -> memref<1x128xi32, #tpu.memory_space<vmem>>
        %dma_start3A_16 = tpu.memref_squeeze %dma_start3A_15 : memref<1x128xi32, #tpu.memory_space<vmem>> -> memref<128xi32, #tpu.memory_space<vmem>>
        %dma_start3A_17 = arith.constant 0 : i32
        %dma_start3A_18 = arith.constant 0 : i32
        %dma_start3A_19 = tpu.memref_slice %arg8[%dma_start3A_17, %dma_start3A_18] : memref<10240x128xf32, #tpu.memory_space<vmem_shared>> -> memref<10240x128xf32, #tpu.memory_space<vmem_shared>>
        tpu.enqueue_indirect_dma source(%arg7 : memref<128x128xf32, #tpu.memory_space<vmem>>) target(%dma_start3A_19 : memref<10240x128xf32, #tpu.memory_space<vmem_shared>>) offsets(%dma_start3A_16 : memref<128xi32, #tpu.memory_space<vmem>>) semaphore(%run_scoped3A : memref<!tpu.dma_semaphore, #tpu.memory_space<semaphore_mem>>) {add = true}
        %dma_wait3A = arith.constant 0 : i32
        %dma_wait3A_20 = tpu.memref_slice %arg6[%scan3A_14, %dma_wait3A] : memref<80x128xi32, #tpu.memory_space<vmem>> -> memref<1x128xi32, #tpu.memory_space<vmem>>
        %dma_wait3A_21 = tpu.memref_squeeze %dma_wait3A_20 : memref<1x128xi32, #tpu.memory_space<vmem>> -> memref<128xi32, #tpu.memory_space<vmem>>
        %dma_wait3A_22 = arith.constant 0 : i32
        %dma_wait3A_23 = arith.constant 0 : i32
        %dma_wait3A_24 = tpu.memref_slice %arg8[%dma_wait3A_22, %dma_wait3A_23] : memref<10240x128xf32, #tpu.memory_space<vmem_shared>> -> memref<10240x128xf32, #tpu.memory_space<vmem_shared>>
        tpu.wait_indirect_dma semaphore(%run_scoped3A : memref<!tpu.dma_semaphore, #tpu.memory_space<semaphore_mem>>) src(%arg7 : memref<128x128xf32, #tpu.memory_space<vmem>>) dst(%dma_wait3A_24 : memref<10240x128xf32, #tpu.memory_space<vmem_shared>>)
        tpu.yield
      }) : () -> ()
    }
    %scan3A_7 = arith.constant 80 : i32
    %barrier3A_8 = arith.constant 0 : index
    tpu.barrier barrier_id(%barrier3A_8)
    %mul3A_9 = arith.constant 10240 : i32
    %mul3A_10 = arith.muli %arg0, %mul3A_9 : i32
    %mul3A_11 = arith.constant 640 : i32
    %mul3A_12 = arith.muli %arg1, %mul3A_11 : i32
    %add3A_13 = arith.addi %mul3A_10, %mul3A_12 : i32
    "tpu.region"() ({
      %run_scoped3A = tpu.sem_alloc : memref<!tpu.dma_semaphore, #tpu.memory_space<semaphore_mem>>
      %dma_start3A = arith.constant 0 : i32
      %dma_start3A_14 = tpu.memref_slice %arg5[%add3A_13, %dma_start3A] : memref<20480x128xf32, #tpu.memory_space<hbm>> -> memref<640x128xf32, #tpu.memory_space<hbm>>
      %dma_start3A_15 = arith.constant 0 : i32
      %dma_start3A_16 = tpu.memref_slice %arg8[%mul3A_2, %dma_start3A_15] : memref<10240x128xf32, #tpu.memory_space<vmem_shared>> -> memref<640x128xf32, #tpu.memory_space<vmem_shared>>
      tpu.enqueue_dma source(%dma_start3A_16 : memref<640x128xf32, #tpu.memory_space<vmem_shared>>) target(%dma_start3A_14 : memref<640x128xf32, #tpu.memory_space<hbm>>) target_semaphore(%run_scoped3A : memref<!tpu.dma_semaphore, #tpu.memory_space<semaphore_mem>>)
      %dma_wait3A = arith.constant 0 : i32
      %dma_wait3A_17 = tpu.memref_slice %arg5[%add3A_13, %dma_wait3A] : memref<20480x128xf32, #tpu.memory_space<hbm>> -> memref<640x128xf32, #tpu.memory_space<hbm>>
      %dma_wait3A_18 = arith.constant 0 : i32
      %dma_wait3A_19 = tpu.memref_slice %arg8[%mul3A_2, %dma_wait3A_18] : memref<10240x128xf32, #tpu.memory_space<vmem_shared>> -> memref<640x128xf32, #tpu.memory_space<vmem_shared>>
      tpu.wait_dma2 semaphore(%run_scoped3A : memref<!tpu.dma_semaphore, #tpu.memory_space<semaphore_mem>>) src(%dma_wait3A_19 : memref<640x128xf32, #tpu.memory_space<vmem_shared>>) dst(%dma_wait3A_17 : memref<640x128xf32, #tpu.memory_space<hbm>>)
      tpu.yield
    }) : () -> ()
    return
  }
}

#map = affine_map<(d0, d1) -> (0, 0)>
#map1 = affine_map<(d0, d1) -> (0, 0, 0)>
module attributes {stable_mosaic.version = 14 : i64} {
  func.func @_edge_body(%arg0: i32, %arg1: i32, %arg2: memref<10240x128xf32, #tpu.memory_space<hbm>>, %arg3: memref<32x80x128xi32, #tpu.memory_space<hbm>>, %arg4: memref<32x80x128xi32, #tpu.memory_space<hbm>>, %arg5: memref<640x128xf32, #tpu.memory_space<hbm>>, %arg6: memref<20480x128xf32, #tpu.memory_space<hbm>>, %arg7: memref<80x128xi32, #tpu.memory_space<vmem>>, %arg8: memref<80x128xi32, #tpu.memory_space<vmem>>, %arg9: memref<128x128xf32, #tpu.memory_space<vmem>>, %arg10: memref<10240x128xf32, #tpu.memory_space<vmem_shared>>, %arg11: memref<!tpu.dma_semaphore, #tpu.memory_space<semaphore_mem>>) attributes {dimension_semantics = [#tpu.dimension_semantics<core_parallel>, #tpu.dimension_semantics<subcore_parallel>], iteration_bounds = array<i64: 2, 16>, scalar_prefetch = 0 : i64, scratch_operands = 5 : i64, tpu.core_type = #tpu.core_type<sc_vector_subcore>, window_params = [{transform_indices = #map}, {transform_indices = #map1}, {transform_indices = #map1}, {transform_indices = #map}, {transform_indices = #map}]} {
    %mul3A = arith.constant 16 : i32
    %mul3A_0 = arith.muli %arg0, %mul3A : i32
    %add3A = arith.addi %mul3A_0, %arg1 : i32
    %mul3A_1 = arith.constant 640 : i32
    %mul3A_2 = arith.muli %arg1, %mul3A_1 : i32
    "tpu.region"() ({
      %run_scoped3A = tpu.sem_alloc : memref<!tpu.dma_semaphore, #tpu.memory_space<semaphore_mem>>
      %dma_start3A = arith.constant 0 : i32
      %dma_start3A_14 = tpu.memref_slice %arg10[%mul3A_2, %dma_start3A] : memref<10240x128xf32, #tpu.memory_space<vmem_shared>> -> memref<640x128xf32, #tpu.memory_space<vmem_shared>>
      tpu.enqueue_dma source(%arg5 : memref<640x128xf32, #tpu.memory_space<hbm>>) target(%dma_start3A_14 : memref<640x128xf32, #tpu.memory_space<vmem_shared>>) target_semaphore(%run_scoped3A : memref<!tpu.dma_semaphore, #tpu.memory_space<semaphore_mem>>)
      %dma_wait3A = arith.constant 0 : i32
      %dma_wait3A_15 = tpu.memref_slice %arg10[%mul3A_2, %dma_wait3A] : memref<10240x128xf32, #tpu.memory_space<vmem_shared>> -> memref<640x128xf32, #tpu.memory_space<vmem_shared>>
      tpu.wait_dma2 semaphore(%run_scoped3A : memref<!tpu.dma_semaphore, #tpu.memory_space<semaphore_mem>>) src(%arg5 : memref<640x128xf32, #tpu.memory_space<hbm>>) dst(%dma_wait3A_15 : memref<640x128xf32, #tpu.memory_space<vmem_shared>>)
      tpu.yield
    }) : () -> ()
    "tpu.region"() ({
      %run_scoped3A = tpu.sem_alloc : memref<!tpu.dma_semaphore, #tpu.memory_space<semaphore_mem>>
      %dma_start3A = arith.constant 0 : i32
      %dma_start3A_14 = arith.constant 0 : i32
      %dma_start3A_15 = tpu.memref_slice %arg3[%add3A, %dma_start3A, %dma_start3A_14] : memref<32x80x128xi32, #tpu.memory_space<hbm>> -> memref<1x80x128xi32, #tpu.memory_space<hbm>>
      %dma_start3A_16 = tpu.memref_squeeze %dma_start3A_15 : memref<1x80x128xi32, #tpu.memory_space<hbm>> -> memref<80x128xi32, #tpu.memory_space<hbm>>
      %dma_start3A_17 = arith.constant 0 : i32
      %dma_start3A_18 = arith.constant 0 : i32
      %dma_start3A_19 = tpu.memref_slice %arg3[%add3A, %dma_start3A_17, %dma_start3A_18] : memref<32x80x128xi32, #tpu.memory_space<hbm>> -> memref<1x80x128xi32, #tpu.memory_space<hbm>>
      %dma_start3A_20 = tpu.memref_squeeze %dma_start3A_19 : memref<1x80x128xi32, #tpu.memory_space<hbm>> -> memref<80x128xi32, #tpu.memory_space<hbm>>
      tpu.enqueue_dma source(%dma_start3A_20 : memref<80x128xi32, #tpu.memory_space<hbm>>) target(%arg7 : memref<80x128xi32, #tpu.memory_space<vmem>>) target_semaphore(%run_scoped3A : memref<!tpu.dma_semaphore, #tpu.memory_space<semaphore_mem>>)
      %dma_wait3A = arith.constant 0 : i32
      %dma_wait3A_21 = arith.constant 0 : i32
      %dma_wait3A_22 = tpu.memref_slice %arg3[%add3A, %dma_wait3A, %dma_wait3A_21] : memref<32x80x128xi32, #tpu.memory_space<hbm>> -> memref<1x80x128xi32, #tpu.memory_space<hbm>>
      %dma_wait3A_23 = tpu.memref_squeeze %dma_wait3A_22 : memref<1x80x128xi32, #tpu.memory_space<hbm>> -> memref<80x128xi32, #tpu.memory_space<hbm>>
      %dma_wait3A_24 = arith.constant 0 : i32
      %dma_wait3A_25 = arith.constant 0 : i32
      %dma_wait3A_26 = tpu.memref_slice %arg3[%add3A, %dma_wait3A_24, %dma_wait3A_25] : memref<32x80x128xi32, #tpu.memory_space<hbm>> -> memref<1x80x128xi32, #tpu.memory_space<hbm>>
      %dma_wait3A_27 = tpu.memref_squeeze %dma_wait3A_26 : memref<1x80x128xi32, #tpu.memory_space<hbm>> -> memref<80x128xi32, #tpu.memory_space<hbm>>
      tpu.wait_dma2 semaphore(%run_scoped3A : memref<!tpu.dma_semaphore, #tpu.memory_space<semaphore_mem>>) src(%dma_wait3A_27 : memref<80x128xi32, #tpu.memory_space<hbm>>) dst(%arg7 : memref<80x128xi32, #tpu.memory_space<vmem>>)
      tpu.yield
    }) : () -> ()
    "tpu.region"() ({
      %run_scoped3A = tpu.sem_alloc : memref<!tpu.dma_semaphore, #tpu.memory_space<semaphore_mem>>
      %dma_start3A = arith.constant 0 : i32
      %dma_start3A_14 = arith.constant 0 : i32
      %dma_start3A_15 = tpu.memref_slice %arg4[%add3A, %dma_start3A, %dma_start3A_14] : memref<32x80x128xi32, #tpu.memory_space<hbm>> -> memref<1x80x128xi32, #tpu.memory_space<hbm>>
      %dma_start3A_16 = tpu.memref_squeeze %dma_start3A_15 : memref<1x80x128xi32, #tpu.memory_space<hbm>> -> memref<80x128xi32, #tpu.memory_space<hbm>>
      %dma_start3A_17 = arith.constant 0 : i32
      %dma_start3A_18 = arith.constant 0 : i32
      %dma_start3A_19 = tpu.memref_slice %arg4[%add3A, %dma_start3A_17, %dma_start3A_18] : memref<32x80x128xi32, #tpu.memory_space<hbm>> -> memref<1x80x128xi32, #tpu.memory_space<hbm>>
      %dma_start3A_20 = tpu.memref_squeeze %dma_start3A_19 : memref<1x80x128xi32, #tpu.memory_space<hbm>> -> memref<80x128xi32, #tpu.memory_space<hbm>>
      tpu.enqueue_dma source(%dma_start3A_20 : memref<80x128xi32, #tpu.memory_space<hbm>>) target(%arg8 : memref<80x128xi32, #tpu.memory_space<vmem>>) target_semaphore(%run_scoped3A : memref<!tpu.dma_semaphore, #tpu.memory_space<semaphore_mem>>)
      %dma_wait3A = arith.constant 0 : i32
      %dma_wait3A_21 = arith.constant 0 : i32
      %dma_wait3A_22 = tpu.memref_slice %arg4[%add3A, %dma_wait3A, %dma_wait3A_21] : memref<32x80x128xi32, #tpu.memory_space<hbm>> -> memref<1x80x128xi32, #tpu.memory_space<hbm>>
      %dma_wait3A_23 = tpu.memref_squeeze %dma_wait3A_22 : memref<1x80x128xi32, #tpu.memory_space<hbm>> -> memref<80x128xi32, #tpu.memory_space<hbm>>
      %dma_wait3A_24 = arith.constant 0 : i32
      %dma_wait3A_25 = arith.constant 0 : i32
      %dma_wait3A_26 = tpu.memref_slice %arg4[%add3A, %dma_wait3A_24, %dma_wait3A_25] : memref<32x80x128xi32, #tpu.memory_space<hbm>> -> memref<1x80x128xi32, #tpu.memory_space<hbm>>
      %dma_wait3A_27 = tpu.memref_squeeze %dma_wait3A_26 : memref<1x80x128xi32, #tpu.memory_space<hbm>> -> memref<80x128xi32, #tpu.memory_space<hbm>>
      tpu.wait_dma2 semaphore(%run_scoped3A : memref<!tpu.dma_semaphore, #tpu.memory_space<semaphore_mem>>) src(%dma_wait3A_27 : memref<80x128xi32, #tpu.memory_space<hbm>>) dst(%arg8 : memref<80x128xi32, #tpu.memory_space<vmem>>)
      tpu.yield
    }) : () -> ()
    %barrier3A = arith.constant 0 : index
    tpu.barrier barrier_id(%barrier3A)
    %scan3A = arith.constant 0 : i32
    %scan3A_3 = arith.constant 0 : i32
    %scan3A_4 = arith.constant 80 : i32
    %scan3A_5 = arith.addi %scan3A_3, %scan3A_4 : i32
    %scan3A_6 = arith.constant 1 : i32
    scf.for %scan3A_14 = %scan3A_3 to %scan3A_5 step %scan3A_6  : i32 {
      %dma_start3A = arith.constant 0 : i32
      %dma_start3A_15 = tpu.memref_slice %arg7[%scan3A_14, %dma_start3A] : memref<80x128xi32, #tpu.memory_space<vmem>> -> memref<1x128xi32, #tpu.memory_space<vmem>>
      %dma_start3A_16 = tpu.memref_squeeze %dma_start3A_15 : memref<1x128xi32, #tpu.memory_space<vmem>> -> memref<128xi32, #tpu.memory_space<vmem>>
      %dma_start3A_17 = arith.constant 0 : i32
      %dma_start3A_18 = arith.constant 0 : i32
      %dma_start3A_19 = tpu.memref_slice %arg2[%dma_start3A_17, %dma_start3A_18] : memref<10240x128xf32, #tpu.memory_space<hbm>> -> memref<10240x128xf32, #tpu.memory_space<hbm>>
      tpu.enqueue_indirect_dma source(%dma_start3A_19 : memref<10240x128xf32, #tpu.memory_space<hbm>>) target(%arg9 : memref<128x128xf32, #tpu.memory_space<vmem>>) offsets(%dma_start3A_16 : memref<128xi32, #tpu.memory_space<vmem>>) semaphore(%arg11 : memref<!tpu.dma_semaphore, #tpu.memory_space<semaphore_mem>>)
      %dma_wait3A = arith.constant 0 : i32
      %dma_wait3A_20 = tpu.memref_slice %arg7[%scan3A_14, %dma_wait3A] : memref<80x128xi32, #tpu.memory_space<vmem>> -> memref<1x128xi32, #tpu.memory_space<vmem>>
      %dma_wait3A_21 = tpu.memref_squeeze %dma_wait3A_20 : memref<1x128xi32, #tpu.memory_space<vmem>> -> memref<128xi32, #tpu.memory_space<vmem>>
      %dma_wait3A_22 = arith.constant 0 : i32
      %dma_wait3A_23 = arith.constant 0 : i32
      %dma_wait3A_24 = tpu.memref_slice %arg2[%dma_wait3A_22, %dma_wait3A_23] : memref<10240x128xf32, #tpu.memory_space<hbm>> -> memref<10240x128xf32, #tpu.memory_space<hbm>>
      tpu.wait_indirect_dma semaphore(%arg11 : memref<!tpu.dma_semaphore, #tpu.memory_space<semaphore_mem>>) src(%dma_wait3A_24 : memref<10240x128xf32, #tpu.memory_space<hbm>>) dst(%arg9 : memref<128x128xf32, #tpu.memory_space<vmem>>)
      "tpu.region"() ({
        %run_scoped3A = tpu.sem_alloc : memref<!tpu.dma_semaphore, #tpu.memory_space<semaphore_mem>>
        %dma_start3A_25 = arith.constant 0 : i32
        %dma_start3A_26 = tpu.memref_slice %arg8[%scan3A_14, %dma_start3A_25] : memref<80x128xi32, #tpu.memory_space<vmem>> -> memref<1x128xi32, #tpu.memory_space<vmem>>
        %dma_start3A_27 = tpu.memref_squeeze %dma_start3A_26 : memref<1x128xi32, #tpu.memory_space<vmem>> -> memref<128xi32, #tpu.memory_space<vmem>>
        %dma_start3A_28 = arith.constant 0 : i32
        %dma_start3A_29 = arith.constant 0 : i32
        %dma_start3A_30 = tpu.memref_slice %arg10[%dma_start3A_28, %dma_start3A_29] : memref<10240x128xf32, #tpu.memory_space<vmem_shared>> -> memref<10240x128xf32, #tpu.memory_space<vmem_shared>>
        tpu.enqueue_indirect_dma source(%arg9 : memref<128x128xf32, #tpu.memory_space<vmem>>) target(%dma_start3A_30 : memref<10240x128xf32, #tpu.memory_space<vmem_shared>>) offsets(%dma_start3A_27 : memref<128xi32, #tpu.memory_space<vmem>>) semaphore(%run_scoped3A : memref<!tpu.dma_semaphore, #tpu.memory_space<semaphore_mem>>) {add = true}
        %dma_wait3A_31 = arith.constant 0 : i32
        %dma_wait3A_32 = tpu.memref_slice %arg8[%scan3A_14, %dma_wait3A_31] : memref<80x128xi32, #tpu.memory_space<vmem>> -> memref<1x128xi32, #tpu.memory_space<vmem>>
        %dma_wait3A_33 = tpu.memref_squeeze %dma_wait3A_32 : memref<1x128xi32, #tpu.memory_space<vmem>> -> memref<128xi32, #tpu.memory_space<vmem>>
        %dma_wait3A_34 = arith.constant 0 : i32
        %dma_wait3A_35 = arith.constant 0 : i32
        %dma_wait3A_36 = tpu.memref_slice %arg10[%dma_wait3A_34, %dma_wait3A_35] : memref<10240x128xf32, #tpu.memory_space<vmem_shared>> -> memref<10240x128xf32, #tpu.memory_space<vmem_shared>>
        tpu.wait_indirect_dma semaphore(%run_scoped3A : memref<!tpu.dma_semaphore, #tpu.memory_space<semaphore_mem>>) src(%arg9 : memref<128x128xf32, #tpu.memory_space<vmem>>) dst(%dma_wait3A_36 : memref<10240x128xf32, #tpu.memory_space<vmem_shared>>)
        tpu.yield
      }) : () -> ()
    }
    %scan3A_7 = arith.constant 80 : i32
    %barrier3A_8 = arith.constant 0 : index
    tpu.barrier barrier_id(%barrier3A_8)
    %mul3A_9 = arith.constant 10240 : i32
    %mul3A_10 = arith.muli %arg0, %mul3A_9 : i32
    %mul3A_11 = arith.constant 640 : i32
    %mul3A_12 = arith.muli %arg1, %mul3A_11 : i32
    %add3A_13 = arith.addi %mul3A_10, %mul3A_12 : i32
    "tpu.region"() ({
      %run_scoped3A = tpu.sem_alloc : memref<!tpu.dma_semaphore, #tpu.memory_space<semaphore_mem>>
      %dma_start3A = arith.constant 0 : i32
      %dma_start3A_14 = tpu.memref_slice %arg6[%add3A_13, %dma_start3A] : memref<20480x128xf32, #tpu.memory_space<hbm>> -> memref<640x128xf32, #tpu.memory_space<hbm>>
      %dma_start3A_15 = arith.constant 0 : i32
      %dma_start3A_16 = tpu.memref_slice %arg10[%mul3A_2, %dma_start3A_15] : memref<10240x128xf32, #tpu.memory_space<vmem_shared>> -> memref<640x128xf32, #tpu.memory_space<vmem_shared>>
      tpu.enqueue_dma source(%dma_start3A_16 : memref<640x128xf32, #tpu.memory_space<vmem_shared>>) target(%dma_start3A_14 : memref<640x128xf32, #tpu.memory_space<hbm>>) target_semaphore(%run_scoped3A : memref<!tpu.dma_semaphore, #tpu.memory_space<semaphore_mem>>)
      %dma_wait3A = arith.constant 0 : i32
      %dma_wait3A_17 = tpu.memref_slice %arg6[%add3A_13, %dma_wait3A] : memref<20480x128xf32, #tpu.memory_space<hbm>> -> memref<640x128xf32, #tpu.memory_space<hbm>>
      %dma_wait3A_18 = arith.constant 0 : i32
      %dma_wait3A_19 = tpu.memref_slice %arg10[%mul3A_2, %dma_wait3A_18] : memref<10240x128xf32, #tpu.memory_space<vmem_shared>> -> memref<640x128xf32, #tpu.memory_space<vmem_shared>>
      tpu.wait_dma2 semaphore(%run_scoped3A : memref<!tpu.dma_semaphore, #tpu.memory_space<semaphore_mem>>) src(%dma_wait3A_19 : memref<640x128xf32, #tpu.memory_space<vmem_shared>>) dst(%dma_wait3A_17 : memref<640x128xf32, #tpu.memory_space<hbm>>)
      tpu.yield
    }) : () -> ()
    return
  }
}

#map = affine_map<(d0, d1) -> (0, 0)>
#map1 = affine_map<(d0, d1) -> (0, 0, 0)>
module attributes {stable_mosaic.version = 14 : i64} {
  func.func @_edge_body(%arg0: i32, %arg1: i32, %arg2: memref<10240x128xf32, #tpu.memory_space<hbm>>, %arg3: memref<32x80x128xi32, #tpu.memory_space<hbm>>, %arg4: memref<32x80x128xi32, #tpu.memory_space<hbm>>, %arg5: memref<640x128xf32, #tpu.memory_space<hbm>>, %arg6: memref<20480x128xf32, #tpu.memory_space<hbm>>, %arg7: memref<80x128xi32, #tpu.memory_space<vmem>>, %arg8: memref<80x128xi32, #tpu.memory_space<vmem>>, %arg9: memref<128x128xf32, #tpu.memory_space<vmem>>, %arg10: memref<10240x128xf32, #tpu.memory_space<vmem_shared>>, %arg11: memref<!tpu.dma_semaphore, #tpu.memory_space<semaphore_mem>>) attributes {dimension_semantics = [#tpu.dimension_semantics<core_parallel>, #tpu.dimension_semantics<subcore_parallel>], iteration_bounds = array<i64: 2, 16>, scalar_prefetch = 0 : i64, scratch_operands = 5 : i64, tpu.core_type = #tpu.core_type<sc_vector_subcore>, window_params = [{transform_indices = #map}, {transform_indices = #map1}, {transform_indices = #map1}, {transform_indices = #map}, {transform_indices = #map}]} {
    %mul3A = arith.constant 16 : i32
    %mul3A_0 = arith.muli %arg0, %mul3A : i32
    %add3A = arith.addi %mul3A_0, %arg1 : i32
    %mul3A_1 = arith.constant 640 : i32
    %mul3A_2 = arith.muli %arg1, %mul3A_1 : i32
    "tpu.region"() ({
      %run_scoped3A = tpu.sem_alloc : memref<!tpu.dma_semaphore, #tpu.memory_space<semaphore_mem>>
      %dma_start3A = arith.constant 0 : i32
      %dma_start3A_14 = tpu.memref_slice %arg10[%mul3A_2, %dma_start3A] : memref<10240x128xf32, #tpu.memory_space<vmem_shared>> -> memref<640x128xf32, #tpu.memory_space<vmem_shared>>
      tpu.enqueue_dma source(%arg5 : memref<640x128xf32, #tpu.memory_space<hbm>>) target(%dma_start3A_14 : memref<640x128xf32, #tpu.memory_space<vmem_shared>>) target_semaphore(%run_scoped3A : memref<!tpu.dma_semaphore, #tpu.memory_space<semaphore_mem>>)
      %dma_wait3A = arith.constant 0 : i32
      %dma_wait3A_15 = tpu.memref_slice %arg10[%mul3A_2, %dma_wait3A] : memref<10240x128xf32, #tpu.memory_space<vmem_shared>> -> memref<640x128xf32, #tpu.memory_space<vmem_shared>>
      tpu.wait_dma2 semaphore(%run_scoped3A : memref<!tpu.dma_semaphore, #tpu.memory_space<semaphore_mem>>) src(%arg5 : memref<640x128xf32, #tpu.memory_space<hbm>>) dst(%dma_wait3A_15 : memref<640x128xf32, #tpu.memory_space<vmem_shared>>)
      tpu.yield
    }) : () -> ()
    "tpu.region"() ({
      %run_scoped3A = tpu.sem_alloc : memref<!tpu.dma_semaphore, #tpu.memory_space<semaphore_mem>>
      %dma_start3A = arith.constant 0 : i32
      %dma_start3A_14 = arith.constant 0 : i32
      %dma_start3A_15 = tpu.memref_slice %arg3[%add3A, %dma_start3A, %dma_start3A_14] : memref<32x80x128xi32, #tpu.memory_space<hbm>> -> memref<1x80x128xi32, #tpu.memory_space<hbm>>
      %dma_start3A_16 = tpu.memref_squeeze %dma_start3A_15 : memref<1x80x128xi32, #tpu.memory_space<hbm>> -> memref<80x128xi32, #tpu.memory_space<hbm>>
      %dma_start3A_17 = arith.constant 0 : i32
      %dma_start3A_18 = arith.constant 0 : i32
      %dma_start3A_19 = tpu.memref_slice %arg3[%add3A, %dma_start3A_17, %dma_start3A_18] : memref<32x80x128xi32, #tpu.memory_space<hbm>> -> memref<1x80x128xi32, #tpu.memory_space<hbm>>
      %dma_start3A_20 = tpu.memref_squeeze %dma_start3A_19 : memref<1x80x128xi32, #tpu.memory_space<hbm>> -> memref<80x128xi32, #tpu.memory_space<hbm>>
      tpu.enqueue_dma source(%dma_start3A_20 : memref<80x128xi32, #tpu.memory_space<hbm>>) target(%arg7 : memref<80x128xi32, #tpu.memory_space<vmem>>) target_semaphore(%run_scoped3A : memref<!tpu.dma_semaphore, #tpu.memory_space<semaphore_mem>>)
      %dma_wait3A = arith.constant 0 : i32
      %dma_wait3A_21 = arith.constant 0 : i32
      %dma_wait3A_22 = tpu.memref_slice %arg3[%add3A, %dma_wait3A, %dma_wait3A_21] : memref<32x80x128xi32, #tpu.memory_space<hbm>> -> memref<1x80x128xi32, #tpu.memory_space<hbm>>
      %dma_wait3A_23 = tpu.memref_squeeze %dma_wait3A_22 : memref<1x80x128xi32, #tpu.memory_space<hbm>> -> memref<80x128xi32, #tpu.memory_space<hbm>>
      %dma_wait3A_24 = arith.constant 0 : i32
      %dma_wait3A_25 = arith.constant 0 : i32
      %dma_wait3A_26 = tpu.memref_slice %arg3[%add3A, %dma_wait3A_24, %dma_wait3A_25] : memref<32x80x128xi32, #tpu.memory_space<hbm>> -> memref<1x80x128xi32, #tpu.memory_space<hbm>>
      %dma_wait3A_27 = tpu.memref_squeeze %dma_wait3A_26 : memref<1x80x128xi32, #tpu.memory_space<hbm>> -> memref<80x128xi32, #tpu.memory_space<hbm>>
      tpu.wait_dma2 semaphore(%run_scoped3A : memref<!tpu.dma_semaphore, #tpu.memory_space<semaphore_mem>>) src(%dma_wait3A_27 : memref<80x128xi32, #tpu.memory_space<hbm>>) dst(%arg7 : memref<80x128xi32, #tpu.memory_space<vmem>>)
      tpu.yield
    }) : () -> ()
    "tpu.region"() ({
      %run_scoped3A = tpu.sem_alloc : memref<!tpu.dma_semaphore, #tpu.memory_space<semaphore_mem>>
      %dma_start3A = arith.constant 0 : i32
      %dma_start3A_14 = arith.constant 0 : i32
      %dma_start3A_15 = tpu.memref_slice %arg4[%add3A, %dma_start3A, %dma_start3A_14] : memref<32x80x128xi32, #tpu.memory_space<hbm>> -> memref<1x80x128xi32, #tpu.memory_space<hbm>>
      %dma_start3A_16 = tpu.memref_squeeze %dma_start3A_15 : memref<1x80x128xi32, #tpu.memory_space<hbm>> -> memref<80x128xi32, #tpu.memory_space<hbm>>
      %dma_start3A_17 = arith.constant 0 : i32
      %dma_start3A_18 = arith.constant 0 : i32
      %dma_start3A_19 = tpu.memref_slice %arg4[%add3A, %dma_start3A_17, %dma_start3A_18] : memref<32x80x128xi32, #tpu.memory_space<hbm>> -> memref<1x80x128xi32, #tpu.memory_space<hbm>>
      %dma_start3A_20 = tpu.memref_squeeze %dma_start3A_19 : memref<1x80x128xi32, #tpu.memory_space<hbm>> -> memref<80x128xi32, #tpu.memory_space<hbm>>
      tpu.enqueue_dma source(%dma_start3A_20 : memref<80x128xi32, #tpu.memory_space<hbm>>) target(%arg8 : memref<80x128xi32, #tpu.memory_space<vmem>>) target_semaphore(%run_scoped3A : memref<!tpu.dma_semaphore, #tpu.memory_space<semaphore_mem>>)
      %dma_wait3A = arith.constant 0 : i32
      %dma_wait3A_21 = arith.constant 0 : i32
      %dma_wait3A_22 = tpu.memref_slice %arg4[%add3A, %dma_wait3A, %dma_wait3A_21] : memref<32x80x128xi32, #tpu.memory_space<hbm>> -> memref<1x80x128xi32, #tpu.memory_space<hbm>>
      %dma_wait3A_23 = tpu.memref_squeeze %dma_wait3A_22 : memref<1x80x128xi32, #tpu.memory_space<hbm>> -> memref<80x128xi32, #tpu.memory_space<hbm>>
      %dma_wait3A_24 = arith.constant 0 : i32
      %dma_wait3A_25 = arith.constant 0 : i32
      %dma_wait3A_26 = tpu.memref_slice %arg4[%add3A, %dma_wait3A_24, %dma_wait3A_25] : memref<32x80x128xi32, #tpu.memory_space<hbm>> -> memref<1x80x128xi32, #tpu.memory_space<hbm>>
      %dma_wait3A_27 = tpu.memref_squeeze %dma_wait3A_26 : memref<1x80x128xi32, #tpu.memory_space<hbm>> -> memref<80x128xi32, #tpu.memory_space<hbm>>
      tpu.wait_dma2 semaphore(%run_scoped3A : memref<!tpu.dma_semaphore, #tpu.memory_space<semaphore_mem>>) src(%dma_wait3A_27 : memref<80x128xi32, #tpu.memory_space<hbm>>) dst(%arg8 : memref<80x128xi32, #tpu.memory_space<vmem>>)
      tpu.yield
    }) : () -> ()
    %barrier3A = arith.constant 0 : index
    tpu.barrier barrier_id(%barrier3A)
    %scan3A = arith.constant 0 : i32
    %scan3A_3 = arith.constant 0 : i32
    %scan3A_4 = arith.constant 80 : i32
    %scan3A_5 = arith.addi %scan3A_3, %scan3A_4 : i32
    %scan3A_6 = arith.constant 1 : i32
    scf.for %scan3A_14 = %scan3A_3 to %scan3A_5 step %scan3A_6  : i32 {
      %dma_start3A = arith.constant 0 : i32
      %dma_start3A_15 = tpu.memref_slice %arg7[%scan3A_14, %dma_start3A] : memref<80x128xi32, #tpu.memory_space<vmem>> -> memref<1x128xi32, #tpu.memory_space<vmem>>
      %dma_start3A_16 = tpu.memref_squeeze %dma_start3A_15 : memref<1x128xi32, #tpu.memory_space<vmem>> -> memref<128xi32, #tpu.memory_space<vmem>>
      %dma_start3A_17 = arith.constant 0 : i32
      %dma_start3A_18 = arith.constant 0 : i32
      %dma_start3A_19 = tpu.memref_slice %arg2[%dma_start3A_17, %dma_start3A_18] : memref<10240x128xf32, #tpu.memory_space<hbm>> -> memref<10240x128xf32, #tpu.memory_space<hbm>>
      tpu.enqueue_indirect_dma source(%dma_start3A_19 : memref<10240x128xf32, #tpu.memory_space<hbm>>) target(%arg9 : memref<128x128xf32, #tpu.memory_space<vmem>>) offsets(%dma_start3A_16 : memref<128xi32, #tpu.memory_space<vmem>>) semaphore(%arg11 : memref<!tpu.dma_semaphore, #tpu.memory_space<semaphore_mem>>)
      %dma_wait3A = arith.constant 0 : i32
      %dma_wait3A_20 = tpu.memref_slice %arg7[%scan3A_14, %dma_wait3A] : memref<80x128xi32, #tpu.memory_space<vmem>> -> memref<1x128xi32, #tpu.memory_space<vmem>>
      %dma_wait3A_21 = tpu.memref_squeeze %dma_wait3A_20 : memref<1x128xi32, #tpu.memory_space<vmem>> -> memref<128xi32, #tpu.memory_space<vmem>>
      %dma_wait3A_22 = arith.constant 0 : i32
      %dma_wait3A_23 = arith.constant 0 : i32
      %dma_wait3A_24 = tpu.memref_slice %arg2[%dma_wait3A_22, %dma_wait3A_23] : memref<10240x128xf32, #tpu.memory_space<hbm>> -> memref<10240x128xf32, #tpu.memory_space<hbm>>
      tpu.wait_indirect_dma semaphore(%arg11 : memref<!tpu.dma_semaphore, #tpu.memory_space<semaphore_mem>>) src(%dma_wait3A_24 : memref<10240x128xf32, #tpu.memory_space<hbm>>) dst(%arg9 : memref<128x128xf32, #tpu.memory_space<vmem>>)
      "tpu.region"() ({
        %run_scoped3A = tpu.sem_alloc : memref<!tpu.dma_semaphore, #tpu.memory_space<semaphore_mem>>
        %dma_start3A_25 = arith.constant 0 : i32
        %dma_start3A_26 = tpu.memref_slice %arg8[%scan3A_14, %dma_start3A_25] : memref<80x128xi32, #tpu.memory_space<vmem>> -> memref<1x128xi32, #tpu.memory_space<vmem>>
        %dma_start3A_27 = tpu.memref_squeeze %dma_start3A_26 : memref<1x128xi32, #tpu.memory_space<vmem>> -> memref<128xi32, #tpu.memory_space<vmem>>
        %dma_start3A_28 = arith.constant 0 : i32
        %dma_start3A_29 = arith.constant 0 : i32
        %dma_start3A_30 = tpu.memref_slice %arg10[%dma_start3A_28, %dma_start3A_29] : memref<10240x128xf32, #tpu.memory_space<vmem_shared>> -> memref<10240x128xf32, #tpu.memory_space<vmem_shared>>
        tpu.enqueue_indirect_dma source(%arg9 : memref<128x128xf32, #tpu.memory_space<vmem>>) target(%dma_start3A_30 : memref<10240x128xf32, #tpu.memory_space<vmem_shared>>) offsets(%dma_start3A_27 : memref<128xi32, #tpu.memory_space<vmem>>) semaphore(%run_scoped3A : memref<!tpu.dma_semaphore, #tpu.memory_space<semaphore_mem>>) {add = true}
        %dma_wait3A_31 = arith.constant 0 : i32
        %dma_wait3A_32 = tpu.memref_slice %arg8[%scan3A_14, %dma_wait3A_31] : memref<80x128xi32, #tpu.memory_space<vmem>> -> memref<1x128xi32, #tpu.memory_space<vmem>>
        %dma_wait3A_33 = tpu.memref_squeeze %dma_wait3A_32 : memref<1x128xi32, #tpu.memory_space<vmem>> -> memref<128xi32, #tpu.memory_space<vmem>>
        %dma_wait3A_34 = arith.constant 0 : i32
        %dma_wait3A_35 = arith.constant 0 : i32
        %dma_wait3A_36 = tpu.memref_slice %arg10[%dma_wait3A_34, %dma_wait3A_35] : memref<10240x128xf32, #tpu.memory_space<vmem_shared>> -> memref<10240x128xf32, #tpu.memory_space<vmem_shared>>
        tpu.wait_indirect_dma semaphore(%run_scoped3A : memref<!tpu.dma_semaphore, #tpu.memory_space<semaphore_mem>>) src(%arg9 : memref<128x128xf32, #tpu.memory_space<vmem>>) dst(%dma_wait3A_36 : memref<10240x128xf32, #tpu.memory_space<vmem_shared>>)
        tpu.yield
      }) : () -> ()
    }
    %scan3A_7 = arith.constant 80 : i32
    %barrier3A_8 = arith.constant 0 : index
    tpu.barrier barrier_id(%barrier3A_8)
    %mul3A_9 = arith.constant 10240 : i32
    %mul3A_10 = arith.muli %arg0, %mul3A_9 : i32
    %mul3A_11 = arith.constant 640 : i32
    %mul3A_12 = arith.muli %arg1, %mul3A_11 : i32
    %add3A_13 = arith.addi %mul3A_10, %mul3A_12 : i32
    "tpu.region"() ({
      %run_scoped3A = tpu.sem_alloc : memref<!tpu.dma_semaphore, #tpu.memory_space<semaphore_mem>>
      %dma_start3A = arith.constant 0 : i32
      %dma_start3A_14 = tpu.memref_slice %arg6[%add3A_13, %dma_start3A] : memref<20480x128xf32, #tpu.memory_space<hbm>> -> memref<640x128xf32, #tpu.memory_space<hbm>>
      %dma_start3A_15 = arith.constant 0 : i32
      %dma_start3A_16 = tpu.memref_slice %arg10[%mul3A_2, %dma_start3A_15] : memref<10240x128xf32, #tpu.memory_space<vmem_shared>> -> memref<640x128xf32, #tpu.memory_space<vmem_shared>>
      tpu.enqueue_dma source(%dma_start3A_16 : memref<640x128xf32, #tpu.memory_space<vmem_shared>>) target(%dma_start3A_14 : memref<640x128xf32, #tpu.memory_space<hbm>>) target_semaphore(%run_scoped3A : memref<!tpu.dma_semaphore, #tpu.memory_space<semaphore_mem>>)
      %dma_wait3A = arith.constant 0 : i32
      %dma_wait3A_17 = tpu.memref_slice %arg6[%add3A_13, %dma_wait3A] : memref<20480x128xf32, #tpu.memory_space<hbm>> -> memref<640x128xf32, #tpu.memory_space<hbm>>
      %dma_wait3A_18 = arith.constant 0 : i32
      %dma_wait3A_19 = tpu.memref_slice %arg10[%mul3A_2, %dma_wait3A_18] : memref<10240x128xf32, #tpu.memory_space<vmem_shared>> -> memref<640x128xf32, #tpu.memory_space<vmem_shared>>
      tpu.wait_dma2 semaphore(%run_scoped3A : memref<!tpu.dma_semaphore, #tpu.memory_space<semaphore_mem>>) src(%dma_wait3A_19 : memref<640x128xf32, #tpu.memory_space<vmem_shared>>) dst(%dma_wait3A_17 : memref<640x128xf32, #tpu.memory_space<hbm>>)
      tpu.yield
    }) : () -> ()
    return
  }
}

module attributes {stable_mosaic.version = 14 : i64} {
  func.func @_pre_body(%arg0: i32, %arg1: memref<1024x128xf32, #tpu.memory_space<vmem>>, %arg2: memref<128x128xf32, #tpu.memory_space<vmem>>, %arg3: memref<1024x128xf32, #tpu.memory_space<vmem>>, %arg4: memref<1024x128xf32, #tpu.memory_space<vmem>>, %arg5: memref<1024x128xf32, #tpu.memory_space<vmem>>, %arg6: memref<1024x1xf32, #tpu.memory_space<vmem>>) attributes {dimension_semantics = [#tpu.dimension_semantics<arbitrary>], iteration_bounds = array<i64: 10>, scalar_prefetch = 0 : i64, scratch_operands = 0 : i64, tpu.core_type = #tpu.core_type<tc>, window_params = [{transform_indices = @transform_0, window_bounds = array<i64: 1024, 128>}, {pipeline_mode = #tpu.pipeline_mode<synchronous>, transform_indices = @transform_1, window_bounds = array<i64: 128, 128>}, {transform_indices = @transform_2, window_bounds = array<i64: 1024, 128>}, {transform_indices = @transform_3, window_bounds = array<i64: 1024, 128>}, {transform_indices = @transform_4, window_bounds = array<i64: 1024, 128>}, {transform_indices = @transform_5, window_bounds = array<i64: 1024, 1>}]} {
    %get3A = arith.constant 0 : index
    %get3A_0 = arith.constant 0 : index
    %get3A_1 = vector.load %arg3[%get3A, %get3A_0] : memref<1024x128xf32, #tpu.memory_space<vmem>>, vector<1024x1xf32>
    %get3A_2 = arith.constant 0 : index
    %get3A_3 = arith.constant 0 : index
    %get3A_4 = vector.load %arg4[%get3A_2, %get3A_3] : memref<1024x128xf32, #tpu.memory_space<vmem>>, vector<1024x1xf32>
    %add3A = arith.addf %get3A_1, %get3A_4 : vector<1024x1xf32>
    %add3A_5 = arith.constant 2.000000e+00 : f32
    %add3A_6 = vector.broadcast %add3A_5 : f32 to vector<1024x1xf32>
    %add3A_7 = arith.addf %add3A, %add3A_6 : vector<1024x1xf32>
    %mul3A = arith.constant 1024 : i32
    %mul3A_8 = arith.muli %arg0, %mul3A : i32
    %iota3A = tpu.iota {dimensions = array<i32: 0>} : vector<1024x1xi32>
    %add3A_9 = vector.broadcast %mul3A_8 : i32 to vector<1024x1xi32>
    %add3A_10 = arith.addi %add3A_9, %iota3A : vector<1024x1xi32>
    %lt3A = arith.constant 10000 : i32
    %lt3A_11 = vector.broadcast %lt3A : i32 to vector<1024x1xi32>
    %lt3A_12 = arith.cmpi slt, %add3A_10, %lt3A_11 : vector<1024x1xi32>
    %rsqrt3A = math.rsqrt %add3A_7 : vector<1024x1xf32>
    %jit3A = arith.constant 0.000000e+00 : f32
    %broadcast_in_dim3A = vector.broadcast %jit3A : f32 to vector<1024x1xf32>
    %select_n3A = arith.select %lt3A_12, %rsqrt3A, %broadcast_in_dim3A : vector<1024x1xi1>, vector<1024x1xf32>
    %swap3A = arith.constant 0 : index
    %swap3A_13 = arith.constant 0 : index
    %swap3A_14 = vector.load %arg6[%swap3A, %swap3A_13] : memref<1024x1xf32, #tpu.memory_space<vmem>>, vector<1024x1xf32>
    tpu.vector_store %arg6[%swap3A, %swap3A_13], %select_n3A {strides = array<i32>} : memref<1024x1xf32, #tpu.memory_space<vmem>>, vector<1024x1xf32>,
    %get3A_15 = arith.constant 0 : index
    %get3A_16 = arith.constant 0 : index
    %get3A_17 = vector.load %arg1[%get3A_15, %get3A_16] : memref<1024x128xf32, #tpu.memory_space<vmem>>, vector<1024x128xf32>
    %get3A_18 = arith.constant 0 : index
    %get3A_19 = arith.constant 0 : index
    %get3A_20 = vector.load %arg2[%get3A_18, %get3A_19] : memref<128x128xf32, #tpu.memory_space<vmem>>, vector<128x128xf32>
    %dot_general3A = arith.constant dense<0.000000e+00> : vector<1024x128xf32>
    %dot_general3A_21 = tpu.matmul %get3A_17, %get3A_20, %dot_general3A {dimension_numbers = #tpu.dot_dimension_numbers<[1], [1], [0], [0], [0, 0, 1, 0], [], []>, transpose_lhs_hint = false} : vector<1024x128xf32>, vector<128x128xf32>, vector<1024x128xf32> -> vector<1024x128xf32>
    %mul3A_22 = vector.broadcast %select_n3A : vector<1024x1xf32> to vector<1024x128xf32>
    %mul3A_23 = arith.mulf %mul3A_22, %dot_general3A_21 : vector<1024x128xf32>
    %swap3A_24 = arith.constant 0 : index
    %swap3A_25 = arith.constant 0 : index
    %swap3A_26 = vector.load %arg5[%swap3A_24, %swap3A_25] : memref<1024x128xf32, #tpu.memory_space<vmem>>, vector<1024x128xf32>
    tpu.vector_store %arg5[%swap3A_24, %swap3A_25], %mul3A_23 {strides = array<i32>} : memref<1024x128xf32, #tpu.memory_space<vmem>>, vector<1024x128xf32>,
    return
  }
  func.func @transform_0(%arg0: i32) -> (i32, i32) {
    %c0_i32 = arith.constant 0 : i32
    %c0_i32_0 = arith.constant 0 : i32
    return %arg0, %c0_i32 : i32, i32
  }
  func.func @transform_1(%arg0: i32) -> (i32, i32) {
    %c0_i32 = arith.constant 0 : i32
    %c0_i32_0 = arith.constant 0 : i32
    %c0_i32_1 = arith.constant 0 : i32
    return %c0_i32, %c0_i32_0 : i32, i32
  }
  func.func @transform_2(%arg0: i32) -> (i32, i32) {
    %c0_i32 = arith.constant 0 : i32
    %c0_i32_0 = arith.constant 0 : i32
    return %arg0, %c0_i32 : i32, i32
  }
  func.func @transform_3(%arg0: i32) -> (i32, i32) {
    %add3A = arith.constant 10 : i32
    %add3A_0 = arith.addi %add3A, %arg0 : i32
    %c0_i32 = arith.constant 0 : i32
    %c0_i32_1 = arith.constant 0 : i32
    return %add3A_0, %c0_i32 : i32, i32
  }
  func.func @transform_4(%arg0: i32) -> (i32, i32) {
    %c0_i32 = arith.constant 0 : i32
    %c0_i32_0 = arith.constant 0 : i32
    return %arg0, %c0_i32 : i32, i32
  }
  func.func @transform_5(%arg0: i32) -> (i32, i32) {
    %c0_i32 = arith.constant 0 : i32
    %c0_i32_0 = arith.constant 0 : i32
    return %arg0, %c0_i32 : i32, i32
  }
}

module attributes {stable_mosaic.version = 14 : i64} {
  func.func @_mid_body(%arg0: i32, %arg1: memref<1024x128xf32, #tpu.memory_space<vmem>>, %arg2: memref<1024x128xf32, #tpu.memory_space<vmem>>, %arg3: memref<1024x128xf32, #tpu.memory_space<vmem>>, %arg4: memref<1024x1xf32, #tpu.memory_space<vmem>>, %arg5: memref<1x128xf32, #tpu.memory_space<vmem>>, %arg6: memref<128x128xf32, #tpu.memory_space<vmem>>, %arg7: memref<1024x128xf32, #tpu.memory_space<vmem>>) attributes {dimension_semantics = [#tpu.dimension_semantics<arbitrary>], iteration_bounds = array<i64: 10>, scalar_prefetch = 0 : i64, scratch_operands = 0 : i64, tpu.core_type = #tpu.core_type<tc>, window_params = [{transform_indices = @transform_0, window_bounds = array<i64: 1024, 128>}, {transform_indices = @transform_1, window_bounds = array<i64: 1024, 128>}, {transform_indices = @transform_2, window_bounds = array<i64: 1024, 128>}, {transform_indices = @transform_3, window_bounds = array<i64: 1024, 1>}, {pipeline_mode = #tpu.pipeline_mode<synchronous>, transform_indices = @transform_4, window_bounds = array<i64: 1, 128>}, {pipeline_mode = #tpu.pipeline_mode<synchronous>, transform_indices = @transform_5, window_bounds = array<i64: 128, 128>}, {transform_indices = @transform_6, window_bounds = array<i64: 1024, 128>}]} {
    %get3A = arith.constant 0 : index
    %get3A_0 = arith.constant 0 : index
    %get3A_1 = vector.load %arg4[%get3A, %get3A_0] : memref<1024x1xf32, #tpu.memory_space<vmem>>, vector<1024x1xf32>
    %get3A_2 = arith.constant 0 : index
    %get3A_3 = arith.constant 0 : index
    %get3A_4 = vector.load %arg1[%get3A_2, %get3A_3] : memref<1024x128xf32, #tpu.memory_space<vmem>>, vector<1024x128xf32>
    %get3A_5 = arith.constant 0 : index
    %get3A_6 = arith.constant 0 : index
    %get3A_7 = vector.load %arg2[%get3A_5, %get3A_6] : memref<1024x128xf32, #tpu.memory_space<vmem>>, vector<1024x128xf32>
    %add3A = arith.addf %get3A_4, %get3A_7 : vector<1024x128xf32>
    %get3A_8 = arith.constant 0 : index
    %get3A_9 = arith.constant 0 : index
    %get3A_10 = vector.load %arg3[%get3A_8, %get3A_9] : memref<1024x128xf32, #tpu.memory_space<vmem>>, vector<1024x128xf32>
    %mul3A = arith.constant 2.000000e+00 : f32
    %mul3A_11 = vector.broadcast %mul3A : f32 to vector<1024x128xf32>
    %mul3A_12 = arith.mulf %mul3A_11, %get3A_10 : vector<1024x128xf32>
    %add3A_13 = arith.addf %add3A, %mul3A_12 : vector<1024x128xf32>
    %mul3A_14 = vector.broadcast %get3A_1 : vector<1024x1xf32> to vector<1024x128xf32>
    %mul3A_15 = arith.mulf %mul3A_14, %add3A_13 : vector<1024x128xf32>
    %get3A_16 = arith.constant 0 : index
    %get3A_17 = arith.constant 0 : index
    %get3A_18 = vector.load %arg5[%get3A_16, %get3A_17] : memref<1x128xf32, #tpu.memory_space<vmem>>, vector<1x128xf32>
    %add3A_19 = vector.broadcast %get3A_18 : vector<1x128xf32> to vector<1024x128xf32>
    %add3A_20 = arith.addf %mul3A_15, %add3A_19 : vector<1024x128xf32>
    %max3A = arith.constant 0.000000e+00 : f32
    %max3A_21 = vector.broadcast %max3A : f32 to vector<1024x128xf32>
    %max3A_22 = arith.maximumf %add3A_20, %max3A_21 : vector<1024x128xf32>
    %get3A_23 = arith.constant 0 : index
    %get3A_24 = arith.constant 0 : index
    %get3A_25 = vector.load %arg6[%get3A_23, %get3A_24] : memref<128x128xf32, #tpu.memory_space<vmem>>, vector<128x128xf32>
    %dot_general3A = arith.constant dense<0.000000e+00> : vector<1024x128xf32>
    %dot_general3A_26 = tpu.matmul %max3A_22, %get3A_25, %dot_general3A {dimension_numbers = #tpu.dot_dimension_numbers<[1], [1], [0], [0], [0, 0, 1, 0], [], []>, transpose_lhs_hint = false} : vector<1024x128xf32>, vector<128x128xf32>, vector<1024x128xf32> -> vector<1024x128xf32>
    %mul3A_27 = vector.broadcast %get3A_1 : vector<1024x1xf32> to vector<1024x128xf32>
    %mul3A_28 = arith.mulf %mul3A_27, %dot_general3A_26 : vector<1024x128xf32>
    %swap3A = arith.constant 0 : index
    %swap3A_29 = arith.constant 0 : index
    %swap3A_30 = vector.load %arg7[%swap3A, %swap3A_29] : memref<1024x128xf32, #tpu.memory_space<vmem>>, vector<1024x128xf32>
    tpu.vector_store %arg7[%swap3A, %swap3A_29], %mul3A_28 {strides = array<i32>} : memref<1024x128xf32, #tpu.memory_space<vmem>>, vector<1024x128xf32>,
    return
  }
  func.func @transform_0(%arg0: i32) -> (i32, i32) {
    %c0_i32 = arith.constant 0 : i32
    %c0_i32_0 = arith.constant 0 : i32
    return %arg0, %c0_i32 : i32, i32
  }
  func.func @transform_1(%arg0: i32) -> (i32, i32) {
    %add3A = arith.constant 10 : i32
    %add3A_0 = arith.addi %add3A, %arg0 : i32
    %c0_i32 = arith.constant 0 : i32
    %c0_i32_1 = arith.constant 0 : i32
    return %add3A_0, %c0_i32 : i32, i32
  }
  func.func @transform_2(%arg0: i32) -> (i32, i32) {
    %c0_i32 = arith.constant 0 : i32
    %c0_i32_0 = arith.constant 0 : i32
    return %arg0, %c0_i32 : i32, i32
  }
  func.func @transform_3(%arg0: i32) -> (i32, i32) {
    %c0_i32 = arith.constant 0 : i32
    %c0_i32_0 = arith.constant 0 : i32
    return %arg0, %c0_i32 : i32, i32
  }
  func.func @transform_4(%arg0: i32) -> (i32, i32) {
    %c0_i32 = arith.constant 0 : i32
    %c0_i32_0 = arith.constant 0 : i32
    %c0_i32_1 = arith.constant 0 : i32
    return %c0_i32, %c0_i32_0 : i32, i32
  }
  func.func @transform_5(%arg0: i32) -> (i32, i32) {
    %c0_i32 = arith.constant 0 : i32
    %c0_i32_0 = arith.constant 0 : i32
    %c0_i32_1 = arith.constant 0 : i32
    return %c0_i32, %c0_i32_0 : i32, i32
  }
  func.func @transform_6(%arg0: i32) -> (i32, i32) {
    %c0_i32 = arith.constant 0 : i32
    %c0_i32_0 = arith.constant 0 : i32
    return %arg0, %c0_i32 : i32, i32
  }
}

module attributes {stable_mosaic.version = 14 : i64} {
  func.func @_final_body(%arg0: i32, %arg1: memref<1024x128xf32, #tpu.memory_space<vmem>>, %arg2: memref<1024x128xf32, #tpu.memory_space<vmem>>, %arg3: memref<1024x128xf32, #tpu.memory_space<vmem>>, %arg4: memref<1024x1xf32, #tpu.memory_space<vmem>>, %arg5: memref<1x128xf32, #tpu.memory_space<vmem>>, %arg6: memref<1x1024xi32, #tpu.memory_space<vmem>>, %arg7: memref<128x128xf32, #tpu.memory_space<vmem>>, %arg8: memref<1x128xf32, #tpu.memory_space<vmem>>, %arg9: memref<1x128xf32, #tpu.memory_space<vmem>>, %arg10: memref<1x1xf32, #tpu.memory_space<vmem>>, %arg11: memref<64x1xf32, #tpu.memory_space<vmem>>, %arg12: memref<64x128xf32, #tpu.memory_space<vmem>>, %arg13: memref<64x1xf32, #tpu.memory_space<vmem>>) attributes {dimension_semantics = [#tpu.dimension_semantics<arbitrary>], iteration_bounds = array<i64: 10>, scalar_prefetch = 0 : i64, scratch_operands = 2 : i64, tpu.core_type = #tpu.core_type<tc>, window_params = [{transform_indices = @transform_0, window_bounds = array<i64: 1024, 128>}, {transform_indices = @transform_1, window_bounds = array<i64: 1024, 128>}, {transform_indices = @transform_2, window_bounds = array<i64: 1024, 128>}, {transform_indices = @transform_3, window_bounds = array<i64: 1024, 1>}, {pipeline_mode = #tpu.pipeline_mode<synchronous>, transform_indices = @transform_4, window_bounds = array<i64: 1, 128>}, {transform_indices = @transform_5, window_bounds = array<i64: 1, 1024>}, {pipeline_mode = #tpu.pipeline_mode<synchronous>, transform_indices = @transform_6, window_bounds = array<i64: 128, 128>}, {pipeline_mode = #tpu.pipeline_mode<synchronous>, transform_indices = @transform_7, window_bounds = array<i64: 1, 128>}, {pipeline_mode = #tpu.pipeline_mode<synchronous>, transform_indices = @transform_8, window_bounds = array<i64: 1, 128>}, {pipeline_mode = #tpu.pipeline_mode<synchronous>, transform_indices = @transform_9, window_bounds = array<i64: 1, 1>}, {pipeline_mode = #tpu.pipeline_mode<synchronous>, transform_indices = @transform_10, window_bounds = array<i64: 64, 1>}]} {
    %eq3A = arith.constant 0 : i32
    %eq3A_0 = arith.cmpi eq, %arg0, %eq3A : i32
    %convert_element_type3A = arith.extui %eq3A_0 : i1 to i32
    %cond3A = arith.constant 0 : i32
    %cond3A_1 = arith.cmpi ne, %convert_element_type3A, %cond3A : i32
    scf.if %cond3A_1 {
      %broadcast_in_dim3A_53 = arith.constant 0.000000e+00 : f32
      %broadcast_in_dim3A_54 = vector.broadcast %broadcast_in_dim3A_53 : f32 to vector<64x128xf32>
      %swap3A_55 = arith.constant 0 : index
      %swap3A_56 = arith.constant 0 : index
      %swap3A_57 = vector.load %arg12[%swap3A_55, %swap3A_56] : memref<64x128xf32, #tpu.memory_space<vmem>>, vector<64x128xf32>
      tpu.vector_store %arg12[%swap3A_55, %swap3A_56], %broadcast_in_dim3A_54 {strides = array<i32>} : memref<64x128xf32, #tpu.memory_space<vmem>>, vector<64x128xf32>,
      %broadcast_in_dim3A_58 = arith.constant 0.000000e+00 : f32
      %broadcast_in_dim3A_59 = vector.broadcast %broadcast_in_dim3A_58 : f32 to vector<64x1xf32>
      %swap3A_60 = arith.constant 0 : index
      %swap3A_61 = arith.constant 0 : index
      %swap3A_62 = vector.load %arg13[%swap3A_60, %swap3A_61] : memref<64x1xf32, #tpu.memory_space<vmem>>, vector<64x1xf32>
      tpu.vector_store %arg13[%swap3A_60, %swap3A_61], %broadcast_in_dim3A_59 {strides = array<i32>} : memref<64x1xf32, #tpu.memory_space<vmem>>, vector<64x1xf32>,
    } else {
    }
    %get3A = arith.constant 0 : index
    %get3A_2 = arith.constant 0 : index
    %get3A_3 = vector.load %arg4[%get3A, %get3A_2] : memref<1024x1xf32, #tpu.memory_space<vmem>>, vector<1024x1xf32>
    %get3A_4 = arith.constant 0 : index
    %get3A_5 = arith.constant 0 : index
    %get3A_6 = vector.load %arg1[%get3A_4, %get3A_5] : memref<1024x128xf32, #tpu.memory_space<vmem>>, vector<1024x128xf32>
    %get3A_7 = arith.constant 0 : index
    %get3A_8 = arith.constant 0 : index
    %get3A_9 = vector.load %arg2[%get3A_7, %get3A_8] : memref<1024x128xf32, #tpu.memory_space<vmem>>, vector<1024x128xf32>
    %add3A = arith.addf %get3A_6, %get3A_9 : vector<1024x128xf32>
    %get3A_10 = arith.constant 0 : index
    %get3A_11 = arith.constant 0 : index
    %get3A_12 = vector.load %arg3[%get3A_10, %get3A_11] : memref<1024x128xf32, #tpu.memory_space<vmem>>, vector<1024x128xf32>
    %mul3A = arith.constant 2.000000e+00 : f32
    %mul3A_13 = vector.broadcast %mul3A : f32 to vector<1024x128xf32>
    %mul3A_14 = arith.mulf %mul3A_13, %get3A_12 : vector<1024x128xf32>
    %add3A_15 = arith.addf %add3A, %mul3A_14 : vector<1024x128xf32>
    %mul3A_16 = vector.broadcast %get3A_3 : vector<1024x1xf32> to vector<1024x128xf32>
    %mul3A_17 = arith.mulf %mul3A_16, %add3A_15 : vector<1024x128xf32>
    %get3A_18 = arith.constant 0 : index
    %get3A_19 = arith.constant 0 : index
    %get3A_20 = vector.load %arg5[%get3A_18, %get3A_19] : memref<1x128xf32, #tpu.memory_space<vmem>>, vector<1x128xf32>
    %add3A_21 = vector.broadcast %get3A_20 : vector<1x128xf32> to vector<1024x128xf32>
    %add3A_22 = arith.addf %mul3A_17, %add3A_21 : vector<1024x128xf32>
    %max3A = arith.constant 0.000000e+00 : f32
    %max3A_23 = vector.broadcast %max3A : f32 to vector<1024x128xf32>
    %max3A_24 = arith.maximumf %add3A_22, %max3A_23 : vector<1024x128xf32>
    %iota3A = tpu.iota {dimensions = array<i32: 0>} : vector<64x1xi32>
    %get3A_25 = arith.constant 0 : index
    %get3A_26 = arith.constant 0 : index
    %get3A_27 = vector.load %arg6[%get3A_25, %get3A_26] : memref<1x1024xi32, #tpu.memory_space<vmem>>, vector<1x1024xi32>
    %eq3A_28 = vector.broadcast %get3A_27 : vector<1x1024xi32> to vector<64x1024xi32>
    %eq3A_29 = vector.broadcast %iota3A : vector<64x1xi32> to vector<64x1024xi32>
    %eq3A_30 = arith.cmpi eq, %eq3A_28, %eq3A_29 : vector<64x1024xi32>
    %convert_element_type3A_31 = arith.extui %eq3A_30 : vector<64x1024xi1> to vector<64x1024xi32>
    %convert_element_type3A_32 = arith.sitofp %convert_element_type3A_31 : vector<64x1024xi32> to vector<64x1024xf32>
    %get3A_33 = arith.constant 0 : index
    %get3A_34 = arith.constant 0 : index
    %get3A_35 = vector.load %arg12[%get3A_33, %get3A_34] : memref<64x128xf32, #tpu.memory_space<vmem>>, vector<64x128xf32>
    %dot_general3A = arith.constant dense<0.000000e+00> : vector<64x128xf32>
    %dot_general3A_36 = tpu.matmul %convert_element_type3A_32, %max3A_24, %dot_general3A {dimension_numbers = #tpu.dot_dimension_numbers<[1], [0], [0], [1], [0, 0, 1, 1], [], []>, precision = #tpu.contract_precision<fp32>, transpose_lhs_hint = false} : vector<64x1024xf32>, vector<1024x128xf32>, vector<64x128xf32> -> vector<64x128xf32>
    %add3A_37 = arith.addf %get3A_35, %dot_general3A_36 : vector<64x128xf32>
    %swap3A = arith.constant 0 : index
    %swap3A_38 = arith.constant 0 : index
    %swap3A_39 = vector.load %arg12[%swap3A, %swap3A_38] : memref<64x128xf32, #tpu.memory_space<vmem>>, vector<64x128xf32>
    tpu.vector_store %arg12[%swap3A, %swap3A_38], %add3A_37 {strides = array<i32>} : memref<64x128xf32, #tpu.memory_space<vmem>>, vector<64x128xf32>,
    %get3A_40 = arith.constant 0 : index
    %get3A_41 = arith.constant 0 : index
    %get3A_42 = vector.load %arg13[%get3A_40, %get3A_41] : memref<64x1xf32, #tpu.memory_space<vmem>>, vector<64x1xf32>
    %reduce_sum3A = arith.constant dense<0.000000e+00> : vector<64xf32>
    %reduce_sum3A_43 = vector.multi_reduction <add>, %convert_element_type3A_32, %reduce_sum3A [1] : vector<64x1024xf32> to vector<64xf32>
    %broadcast_in_dim3A = vector.shape_cast %reduce_sum3A_43 : vector<64xf32> to vector<64x1xf32>
    %add3A_44 = arith.addf %get3A_42, %broadcast_in_dim3A : vector<64x1xf32>
    %swap3A_45 = arith.constant 0 : index
    %swap3A_46 = arith.constant 0 : index
    %swap3A_47 = vector.load %arg13[%swap3A_45, %swap3A_46] : memref<64x1xf32, #tpu.memory_space<vmem>>, vector<64x1xf32>
    tpu.vector_store %arg13[%swap3A_45, %swap3A_46], %add3A_44 {strides = array<i32>} : memref<64x1xf32, #tpu.memory_space<vmem>>, vector<64x1xf32>,
    %eq3A_48 = arith.constant 9 : i32
    %eq3A_49 = arith.cmpi eq, %arg0, %eq3A_48 : i32
    %convert_element_type3A_50 = arith.extui %eq3A_49 : i1 to i32
    %cond3A_51 = arith.constant 0 : i32
    %cond3A_52 = arith.cmpi ne, %convert_element_type3A_50, %cond3A_51 : i32
    scf.if %cond3A_52 {
      %get3A_53 = arith.constant 0 : index
      %get3A_54 = arith.constant 0 : index
      %get3A_55 = vector.load %arg12[%get3A_53, %get3A_54] : memref<64x128xf32, #tpu.memory_space<vmem>>, vector<64x128xf32>
      %get3A_56 = arith.constant 0 : index
      %get3A_57 = arith.constant 0 : index
      %get3A_58 = vector.load %arg13[%get3A_56, %get3A_57] : memref<64x1xf32, #tpu.memory_space<vmem>>, vector<64x1xf32>
      %max3A_59 = arith.constant 1.000000e+00 : f32
      %max3A_60 = vector.broadcast %max3A_59 : f32 to vector<64x1xf32>
      %max3A_61 = arith.maximumf %get3A_58, %max3A_60 : vector<64x1xf32>
      %div3A = vector.broadcast %max3A_61 : vector<64x1xf32> to vector<64x128xf32>
      %div3A_62 = arith.divf %get3A_55, %div3A : vector<64x128xf32>
      %get3A_63 = arith.constant 0 : index
      %get3A_64 = arith.constant 0 : index
      %get3A_65 = vector.load %arg7[%get3A_63, %get3A_64] : memref<128x128xf32, #tpu.memory_space<vmem>>, vector<128x128xf32>
      %dot_general3A_66 = arith.constant dense<0.000000e+00> : vector<64x128xf32>
      %dot_general3A_67 = tpu.matmul %div3A_62, %get3A_65, %dot_general3A_66 {dimension_numbers = #tpu.dot_dimension_numbers<[1], [1], [0], [0], [0, 0, 1, 0], [], []>, transpose_lhs_hint = false} : vector<64x128xf32>, vector<128x128xf32>, vector<64x128xf32> -> vector<64x128xf32>
      %get3A_68 = arith.constant 0 : index
      %get3A_69 = arith.constant 0 : index
      %get3A_70 = vector.load %arg8[%get3A_68, %get3A_69] : memref<1x128xf32, #tpu.memory_space<vmem>>, vector<1x128xf32>
      %add3A_71 = vector.broadcast %get3A_70 : vector<1x128xf32> to vector<64x128xf32>
      %add3A_72 = arith.addf %dot_general3A_67, %add3A_71 : vector<64x128xf32>
      %max3A_73 = arith.constant 0.000000e+00 : f32
      %max3A_74 = vector.broadcast %max3A_73 : f32 to vector<64x128xf32>
      %max3A_75 = arith.maximumf %add3A_72, %max3A_74 : vector<64x128xf32>
      %convert_element_type3A_76 = arith.truncf %max3A_75 : vector<64x128xf32> to vector<64x128xbf16>
      %convert_element_type3A_77 = arith.extf %convert_element_type3A_76 : vector<64x128xbf16> to vector<64x128xf32>
      %get3A_78 = arith.constant 0 : index
      %get3A_79 = arith.constant 0 : index
      %get3A_80 = vector.load %arg9[%get3A_78, %get3A_79] : memref<1x128xf32, #tpu.memory_space<vmem>>, vector<1x128xf32>
      %convert_element_type3A_81 = arith.truncf %get3A_80 : vector<1x128xf32> to vector<1x128xbf16>
      %convert_element_type3A_82 = arith.extf %convert_element_type3A_81 : vector<1x128xbf16> to vector<1x128xf32>
      %mul3A_83 = vector.broadcast %convert_element_type3A_82 : vector<1x128xf32> to vector<64x128xf32>
      %mul3A_84 = arith.mulf %convert_element_type3A_77, %mul3A_83 : vector<64x128xf32>
      %reduce_sum3A_85 = arith.constant dense<0.000000e+00> : vector<64xf32>
      %reduce_sum3A_86 = vector.multi_reduction <add>, %mul3A_84, %reduce_sum3A_85 [1] : vector<64x128xf32> to vector<64xf32>
      %broadcast_in_dim3A_87 = vector.shape_cast %reduce_sum3A_86 : vector<64xf32> to vector<64x1xf32>
      %get3A_88 = arith.constant 0 : index
      %get3A_89 = arith.constant 0 : index
      %get3A_90 = vector.load %arg10[%get3A_88, %get3A_89] : memref<1x1xf32, #tpu.memory_space<vmem>>, vector<1x1xf32>
      %get3A_91 = vector.extract %get3A_90[0, 0] : f32 from vector<1x1xf32>
      %add3A_92 = vector.broadcast %get3A_91 : f32 to vector<64x1xf32>
      %add3A_93 = arith.addf %broadcast_in_dim3A_87, %add3A_92 : vector<64x1xf32>
      %swap3A_94 = arith.constant 0 : index
      %swap3A_95 = arith.constant 0 : index
      %swap3A_96 = vector.load %arg11[%swap3A_94, %swap3A_95] : memref<64x1xf32, #tpu.memory_space<vmem>>, vector<64x1xf32>
      tpu.vector_store %arg11[%swap3A_94, %swap3A_95], %add3A_93 {strides = array<i32>} : memref<64x1xf32, #tpu.memory_space<vmem>>, vector<64x1xf32>,
    } else {
    }
    return
  }
  func.func @transform_0(%arg0: i32) -> (i32, i32) {
    %c0_i32 = arith.constant 0 : i32
    %c0_i32_0 = arith.constant 0 : i32
    return %arg0, %c0_i32 : i32, i32
  }
  func.func @transform_1(%arg0: i32) -> (i32, i32) {
    %add3A = arith.constant 10 : i32
    %add3A_0 = arith.addi %add3A, %arg0 : i32
    %c0_i32 = arith.constant 0 : i32
    %c0_i32_1 = arith.constant 0 : i32
    return %add3A_0, %c0_i32 : i32, i32
  }
  func.func @transform_2(%arg0: i32) -> (i32, i32) {
    %c0_i32 = arith.constant 0 : i32
    %c0_i32_0 = arith.constant 0 : i32
    return %arg0, %c0_i32 : i32, i32
  }
  func.func @transform_3(%arg0: i32) -> (i32, i32) {
    %c0_i32 = arith.constant 0 : i32
    %c0_i32_0 = arith.constant 0 : i32
    return %arg0, %c0_i32 : i32, i32
  }
  func.func @transform_4(%arg0: i32) -> (i32, i32) {
    %c0_i32 = arith.constant 0 : i32
    %c0_i32_0 = arith.constant 0 : i32
    %c0_i32_1 = arith.constant 0 : i32
    return %c0_i32, %c0_i32_0 : i32, i32
  }
  func.func @transform_5(%arg0: i32) -> (i32, i32) {
    %c0_i32 = arith.constant 0 : i32
    %c0_i32_0 = arith.constant 0 : i32
    return %c0_i32, %arg0 : i32, i32
  }
  func.func @transform_6(%arg0: i32) -> (i32, i32) {
    %c0_i32 = arith.constant 0 : i32
    %c0_i32_0 = arith.constant 0 : i32
    %c0_i32_1 = arith.constant 0 : i32
    return %c0_i32, %c0_i32_0 : i32, i32
  }
  func.func @transform_7(%arg0: i32) -> (i32, i32) {
    %c0_i32 = arith.constant 0 : i32
    %c0_i32_0 = arith.constant 0 : i32
    %c0_i32_1 = arith.constant 0 : i32
    return %c0_i32, %c0_i32_0 : i32, i32
  }
  func.func @transform_8(%arg0: i32) -> (i32, i32) {
    %c0_i32 = arith.constant 0 : i32
    %c0_i32_0 = arith.constant 0 : i32
    %c0_i32_1 = arith.constant 0 : i32
    return %c0_i32, %c0_i32_0 : i32, i32
  }
  func.func @transform_9(%arg0: i32) -> (i32, i32) {
    %c0_i32 = arith.constant 0 : i32
    %c0_i32_0 = arith.constant 0 : i32
    %c0_i32_1 = arith.constant 0 : i32
    return %c0_i32, %c0_i32_0 : i32, i32
  }
  func.func @transform_10(%arg0: i32) -> (i32, i32) {
    %c0_i32 = arith.constant 0 : i32
    %c0_i32_0 = arith.constant 0 : i32
    %c0_i32_1 = arith.constant 0 : i32
    return %c0_i32, %c0_i32_0 : i32, i32
  }
}

</mosaic_0001>

<sc_bundles>
// kernel: kernel.10.cloned.1.call-start
scs
__scs_entry_jumppad:
0x0: {  	(pc) =	sbr.rel $0x88, $3  }
0x1: {  	(tag) =	ssettag $0x0;
	lr =	simm.s32 $0x1  }
0x2: {  	[smem:$0x3F94] =	sst lr;
	_ =	strace $0xD0000000  }
0x3: {  	_ = 	snop  }
0x4: {  	_ = 	snop  }
0x5: {  	_ = 	snop  }
0x6: {  	_ = 	snop  }
0x7: {  	_ = 	snop  }
__scs_overlays_trampoline_lowered:
0x8: {  	[smem:$0x3FA3] =	sst s0  }
0x9: {  	[smem:$0x3FA4] =	sst s1  }
0xa: {  	[smem:$0x3FA5] =	sst s2  }
0xb: {  	[smem:$0x3FA6] =	sst s3  }
0xc: {  	[smem:$0x3FA7] =	sst s4  }
0xd: {  	[smem:$0x3FA8] =	sst s5  }
0xe: {  	[smem:$0x3FA9] =	sst s6  }
0xf: {  	[smem:$0x3FAA] =	sst s7  }
0x10: {  	[smem:$0x3FAB] =	sst s8  }
0x11: {  	[smem:$0x3FAC] =	sst s9;
	s0 =	simm.s32 @!p0 $0x0  }
0x12: {  	s1 =	sld [smem:$0x3F92];
	s0 =	simm.s32 @p0 $0x1  }
0x13: {  	[smem:$0x3FAD] =	sst s0;
	s0 =	simm.s32 @!p1 $0x0  }
0x14: {  	s2 =	sld [smem:$0x3F91];
	s0 =	simm.s32 @p1 $0x1  }
0x15: {  	[smem:$0x3FAE] =	sst s0;
	s0 =	simm.s32 @!p2 $0x0  }
0x16: {  	s3 =	sld [smem:$0x3FDB];
	s0 =	simm.s32 @p2 $0x1  }
0x17: {  	s4 =	simm.s32 $0x1BF5;
	[smem:$0x3FB0] =	sst s0  }
0x18: {  	s0 =	sld [smem:$0x3F93];
	_ =	swait.ge [sflag:s4], $0x0  }
0x19: {  	s7 =	sld [smem:$0x3F94]  }
0x1a: {  	s8 =	sadd.s32 $0xFFFFE003, lr  }
0x1b: {  	s9 =	sadd.s32 $0xFFFFFEF7, lr;
	s5 =	simm.s32 $0xFFFFFFFF;
	p2 =	slt.u32 s8, $0xFFFFF086  }
0x1c: {  	p1 =	slt.u32 s9, $0xF7A;
	s5 =	simm.s32 @!p2 $0x0  }
0x1d: {  	s5 =	simm.s32 @p1 $0x1;
	p0 =	seq.s32 s7, s2  }
0x1e: {  	s7 =	smul.u32 @!p0 $0xF7A, s2;
	p2 =	seq.s32 @!p0 s5, $0x0  }
0x1f: {  	s9 =	smul.u32 $0xF7A, s1;
	s8 =	simm.s32 @!p0 $0x1BF5;
	p2 =	por !p2, p0  }
0x20: {  	[sflag:s8] =	ssyncset.s32 @!p0 $0xFFFFF086;
	s6 =	sadd.s32 @!p0 s3, s7;
	s7 =	simm.s32 @!p0 $0x108  }
0x21: {  	s3 =	sadd.s32 s3, s9;
	s6 =	sadd.s32 @!p0 $0x88, s6;
	s7 =	simm.s32 @p2 $0x1082  }
0x22: {  	[simem:s7], [sflag:s8] =	dma.local @!p0 [hbm:s6], $0xF7A  }
0x23: {  	s9 =	sor.u32 $0xD0000000, s2;
	s6 =	simm.s32 $0x108;
	_ =	swait.ge @!p0 [sflag:s8], $0x0  }
0x24: {  	s3 =	sadd.s32 $0x88, s3;
	s6 =	simm.s32 @!p1 $0x1082;
	[sflag:s4] =	ssyncset.s32 $0xFFFFF086  }
0x25: {  	[simem:s6], [sflag:s4] =	dma.local [hbm:s3], $0xF7A  }
0x26: {  	[smem:$0x3F94] =	sst s1;
	(tag) =	ssettag s2;
	_ =	strace s9  }
0x27: {  	s1 =	sld [smem:$0x3FA4]  }
0x28: {  	s2 =	sld [smem:$0x3FA5]  }
0x29: {  	s4 =	sld [smem:$0x3FA7]  }
0x2a: {  	p0 =	seq.s32 s5, $0x0;
	s5 =	sld [smem:$0x3FA8]  }
0x2b: {  	s6 =	sld [smem:$0x3FA9]  }
0x2c: {  	s7 =	sld [smem:$0x3FAA]  }
0x2d: {  	s3 =	simm.s32 $0x108;
	s8 =	sld [smem:$0x3FAB]  }
0x2e: {  	s3 =	simm.s32 @!p0 $0x1082;
	s9 =	sld [smem:$0x3FAC]  }
0x2f: {  	lr =	sadd.s32 s0, s3;
	s0 =	sld [smem:$0x3FA3]  }
0x30: {  	s3 =	sld [smem:$0x3FA6]  }
0x31: {  	[smem:$0x3FAF] =	sst s10  }
0x32: {  	s10 =	sld [smem:$0x3FAD];
	_ =	sdelay $0x3  }
0x33: {  	p0 =	seq.s32 s10, $0x1;
	s10 =	sld [smem:$0x3FAF];
	_ =	sdelay $0x3  }
0x34: {  	[smem:$0x3FAF] =	sst s10  }
0x35: {  	s10 =	sld [smem:$0x3FAE];
	_ =	sdelay $0x3  }
0x36: {  	p1 =	seq.s32 s10, $0x1;
	s10 =	sld [smem:$0x3FAF];
	_ =	sdelay $0x3  }
0x37: {  	[smem:$0x3FAF] =	sst s10  }
0x38: {  	s10 =	sld [smem:$0x3FB0]  }
0x39: {  	_ = 	snop;
	(pc) =	sbr.ind lr, $3  }
0x3a: {  	_ = 	snop  }
0x3b: {  	_ = 	snop  }
0x3c: {  	p2 =	seq.s32 s10, $0x1;
	s10 =	sld [smem:$0x3FAF]  }
0x3d: {  	_ =	shalt  }
0x3e: {  	_ =	shalt  }
0x3f: {  	_ =	shalt  }
0x40: {  	_ =	shalt  }
0x41: {  	_ =	shalt  }
0x42: {  	_ =	shalt  }
0x43: {  	_ =	shalt  }
0x44: {  	_ =	shalt  }
0x45: {  	_ =	shalt  }
0x46: {  	_ =	shalt  }
0x47: {  	_ =	shalt  }
0x48: {  	_ =	shalt  }
0x49: {  	_ =	shalt  }
0x4a: {  	_ =	shalt  }
0x4b: {  	_ =	shalt  }
0x4c: {  	_ =	shalt  }
0x4d: {  	_ =	shalt  }
0x4e: {  	_ =	shalt  }
0x4f: {  	_ =	shalt  }
0x50: {  	_ =	shalt  }
0x51: {  	_ =	shalt  }
0x52: {  	_ =	shalt  }
0x53: {  	_ =	shalt  }
0x54: {  	_ =	shalt  }
0x55: {  	_ =	shalt  }
0x56: {  	_ =	shalt  }
0x57: {  	_ =	shalt  }
0x58: {  	_ =	shalt  }
0x59: {  	_ =	shalt  }
0x5a: {  	_ =	shalt  }
0x5b: {  	_ =	shalt  }
0x5c: {  	_ =	shalt  }
0x5d: {  	_ =	shalt  }
0x5e: {  	_ =	shalt  }
0x5f: {  	_ =	shalt  }
0x60: {  	_ =	shalt  }
0x61: {  	_ =	shalt  }
0x62: {  	_ =	shalt  }
0x63: {  	_ =	shalt  }
0x64: {  	_ =	shalt  }
0x65: {  	_ =	shalt  }
0x66: {  	_ =	shalt  }
0x67: {  	_ =	shalt  }
0x68: {  	_ =	shalt  }
0x69: {  	_ =	shalt  }
0x6a: {  	_ =	shalt  }
0x6b: {  	_ =	shalt  }
0x6c: {  	_ =	shalt  }
0x6d: {  	_ =	shalt  }
0x6e: {  	_ =	shalt  }
0x6f: {  	_ =	shalt  }
0x70: {  	_ =	shalt  }
0x71: {  	_ =	shalt  }
0x72: {  	_ =	shalt  }
0x73: {  	_ =	shalt  }
0x74: {  	_ =	shalt  }
0x75: {  	_ =	shalt  }
0x76: {  	_ =	shalt  }
0x77: {  	_ =	shalt  }
0x78: {  	_ =	shalt  }
0x79: {  	_ =	shalt  }
0x7a: {  	_ =	shalt  }
0x7b: {  	_ =	shalt  }
0x7c: {  	_ =	shalt  }
0x7d: {  	_ =	shalt  }
0x7e: {  	_ =	shalt  }
0x7f: {  	_ =	shalt  }
0x80: {  	_ =	shalt  }
0x81: {  	_ =	shalt  }
0x82: {  	_ =	shalt  }
0x83: {  	_ =	shalt  }
0x84: {  	_ =	shalt  }
0x85: {  	_ =	shalt  }
0x86: {  	_ =	shalt  }
0x87: {  	_ =	shalt  }
.Lfunc_end0:
.L_simem_size_0:
called_computation_lowered:
.L_overlay_start_0:
0x88: {  	s2 =	sld [smem:$0x3FD9]  }
0x89: {  	s3 =	sld [smem:$0x3FFE];
	_ =	sdelay $0x1  }
0x8a: {  	s1 =	srdreg.scid  }
0x8b: {  	s0 =	sand.u32 $0x1, s1  }
0x8c: {  	s16 =	sshll.u32 s0, $0xA;
	s2 =	sadd.s32 s3, s2  }
0x8d: {  	s2 =	sadd.s32 s2, s16  }
0x8e: {  	[smem:$0x3FBB] =	sst s2  }
0x8f: {  	_ = 	snop  }
0x90: {  	(tm) =	ssettm $0x1  }
0x91: {  	s17 =	sld [smem:$0x3FFB];
	_ =	sdelay $0x3  }
0x92: {  	_ =	strace s17  }
0x93: {  	s2 =	sld [smem:$0x3FFC];
	_ =	sdelay $0x3  }
0x94: {  	_ =	strace s2  }
0x95: {  	s2 =	sld [smem:$0x3FFD];
	_ =	sdelay $0x3  }
0x96: {  	_ =	strace s2  }
0x97: {  	_ =	strace $0x8FFFFFFF  }
0x98: {  	s18 =	sld [smem:$0x3FDB];
	_ =	sdelay $0x1  }
0x99: {  	s19 =	simm.s32 $_scs_section_size  }
0x9a: {  	s4 =	simm.s32 $_size__tile_overlayer_lowered;
	s5 =	simm.s32 $_tile_overlayer_lowered  }
0x9b: {  	s22 =	simm.s32 $0x1BFF;
	s21 =	sshll.u32 s5, $0x1;
	s2 =	sadd.s32 s19, s18  }
0x9c: {  	s6 =	simm.s32 $0x0;
	s20 =	sshll.u32 s4, $0x1;
	s4 =	sadd.s32 s21, s2  }
0x9d: {  	[timem:s6], [sflag:s22] =	dma.local [hbm:s4], s20  }
0x9e: {  	_ =	swait.ge [sflag:s22], s20  }
0x9f: {  	s3 =	ssub.s32 $0x0, s20;
	[sflag:s22] =	ssyncset.done $0x0  }
0xa0: {  	[sflag:s22] =	ssyncadd.s32 s3;
	_ =	sdelay $0x1  }
0xa1: {  	s23 =	simm.s32 $0x1B8B  }
0xa2: {  	_ =	swait.ge [sflag:s23], $0x1  }
0xa3: {  	[sflag:s23] =	ssyncset.done $0x0  }
0xa4: {  	s25 =	simm.s32 $0x1B8E;
	s24 =	sld [smem:$0x3FFE];
	[sflag:s23] =	ssyncadd.s32 $0xFFFFFFFF  }
0xa5: {  	s26 =	simm.s32 $execute0_lowered;
	[smem:$0x3FD2] =	sst s25  }
0xa6: {  	s4 =	sshll.u32 s26, $0x1;
	_ =	strace $0x80000046;
	[dreg:$0x1] =	wrdreg $0xFFFFFFFF  }
0xa7: {  	s28 =	simm.s32 $_size_execute0_lowered;
	s2 =	sadd.s32 s2, s4;
	[dreg:$0x0] =	wrdreg $0x0  }
0xa8: {  	s4 =	sshll.u32 s28, $0x1;
	[dreg:$0x2] =	wrdreg s2  }
0xa9: {  	[dreg:$0x3] =	wrdreg s4  }
0xaa: {  	[dreg:$0x4] =	wrdreg $0xC0  }
0xab: {  	_ =	task [dreg:s6], $0x5FFFF  }
0xac: {  	[dreg:$0x1] =	wrdreg $0xFFFFFFFF  }
0xad: {  	[dreg:$0x0] =	wrdreg $0x60  }
0xae: {  	[dreg:$0x2] =	wrdreg s24  }
0xaf: {  	[dreg:$0x3] =	wrdreg $0x68000  }
0xb0: {  	[dreg:$0x4] =	wrdreg $0x9  }
0xb1: {  	_ =	task.clear_ibuf [dreg:s6], $0x5FFFF;
	_ =	strace $0x90000046  }
0xb2: {  	s29 =	simm.s32 $0x9;
	_ =	strace $0x80000048  }
0xb3: {  	_ =	swait.ge [sflag:s29], $0x1  }
0xb4: {  	[sflag:s29] =	ssyncadd.s32 $0xFFFFFFFF  }
0xb5: {  	_ =	strace $0x90000048  }
0xb6: {  	_ =	sfence  }
0xb7: {  	s30 =	sld [smem:$0x0];
	_ =	sdelay $0x2  }
0xb8: {  	s31 =	sshll.u32 s1, $0xD;
	s1 =	sshrl.u32 s1, $0x2  }
0xb9: {  	s3 =	sand.u32 $0x4000, s31;
	s1 =	sadd.s32 s1, s30  }
0xba: {  	s0 =	sor.u32 s3, s0;
	s1 =	sshll.u32 s1, $0x11  }
0xbb: {  	s0 =	sor.u32 s1, s0  }
0xbc: {  	s0 =	sadd.s32 $0x8F2B, s0  }
0xbd: {  	[sflag:s0] =	ssyncadd.remote.s32 $0x1  }
0xbe: {  	_ =	sfence.sel $0xFFFF  }
0xbf: {  	[dreg:$0x0] =	wrdreg $0xFFFFFFFF;
	(pc) =	sbr.abs _section_cstart, $3  }
0xc0: {  	[dreg:$0x1] =	wrdreg $0xFFFFFFFF  }
0xc1: {  	_ =	task.clear_ibuf [dreg:s6], $0x2FFFF;
	_ =	strace $0x9FFFFFFF  }
0xc2: {  	(tm) =	ssettm $0x7FFFFFFF  }
0xc3: {  	_ =	shalt  }
tec
execute0_lowered:
.L_overlay_start_1:
0x0: {  	(tag) =	ssettag $0x1  }
0x1: {  	s0 =	srdreg.scid;
	s7 =	rddreg [dreg:$0x0]  }
0x2: {  	s2 =	rddreg [dreg:$0x1];
	s6 =	sand.u32 $0x1, s0;
	s0 =	stileid.u32  }
0x3: {  	s3 =	simm.s32 $0x0;
	s13 =	simm.s32 $0x80;
	s8 =	smul.u32 $0x2800, s0  }
0x4: {  	s14 =	simm.s32 $0x0;
	[smem:$0x7FF] =	sst s3;
	s9 =	smul.u32 $0x28000, s6  }
0x5: {  	s5 =	sadd.s32 $0x19E00, s7;
	s1 =	sshll.u32 s6, $0x4;
	s11 =	smul.u32 $0x50000, s0  }
0x6: {  	s6 =	ssub.s32 $0x2, s6;
	s31 =	sshll.u32 s0, $0x6;
	s4 =	sor.u32 s0, s1  }
0x7: {  	s1 =	rddreg [dreg:$0x2];
	_ =	strace $0x80000047;
	s28 =	sshrl.u32 s6, $0x1  }
0x8: {  	s4 =	smul.u32 $0x500, s4;
	s8 =	sadd.s32 s8, s9;
	s29 =	sshrl.u32 s11, $0x2  }
0x9: {  	s30 =	ssub.s32 s6, s28;
	s6 =	sor.u32 $0x1C01, s31;
	s11 =	simm.s32 $0x1  }
0xa: {  	s8 =	sadd.s32 s8, s7;
	s12 =	sadd.s32 s29, s2;
	s9 =	smax.u32 s30, $0x1  }
0xb: {  	s10 =	sadd.s32 s4, s7;
	s4 =	sadd.s32 $0x17600, s7;
	s8 =	sadd.s32 $0x1A600, s8  }
0xc: {  	s7 =	sadd.s32 $0xD600, s10;
	s10 =	sshrl.u32 s12, $0x3;
	s12 =	simm.s32 $0x2800  }
.LBB2_1:
0xd: {  	[spmem:s10], [sflag:s6] =	dma.local [hbm:s4], $0x2800  }
0xe: {  	_ =	swait.ge [sflag:s11], $0x2800  }
0xf: {  	[sflag:s11] =	ssyncset.done $0x0  }
0x10: {  	[sflag:s11] =	ssyncadd.s32 $0xFFFFD800  }
0x11: {  	[tilespmem:s3], [sflag:$0x1] =	stream.linear.gather [hbm4b:s7+s3], $0x2800, $0x38;
	[tilespmem:$0x1A800] =	vst v63  }
0x12: {  	_ =	swait.ge [sflag:s11], $0x2800  }
0x13: {  	[sflag:s11] =	ssyncset.done $0x0  }
0x14: {  	[sflag:s11] =	ssyncadd.s32 $0xFFFFD800  }
0x15: {  	[tilespmem:s12], [sflag:$0x1] =	stream.linear.gather [hbm4b:s5+s3], $0x4000, $0x38;
	[tilespmem:$0x1A800] =	vst v63  }
0x16: {  	_ =	swait.ge [sflag:s11], $0x4000  }
0x17: {  	[sflag:s11] =	ssyncset.done $0x0  }
0x18: {  	[sflag:s11] =	ssyncadd.s32 $0xFFFFC000  }
0x19: {  	s15 =	simm.s32 $0x0;
	[bflag:$0x0] =	sbarrier.arrive $0xFFFF  }
0x1a: {  	[spmem:s2] =	stream.indirect.scatter.add.f32 [tilespmem:s12], [sflag:$0x1], $0x80, s15, s13, $0xb8;
	[tilespmem:$0x1A800] =	vst v63  }
0x1b: {  	_ =	swait.ge [sflag:s11], $0x4000  }
0x1c: {  	s15 =	simm.s32 $0x200;
	[sflag:s11] =	ssyncset.done $0x0  }
.LBB2_2:
0x1d: {  	s16 =	sshra.s32 s15, $0x2;
	[sflag:s11] =	ssyncadd.s32 $0xFFFFC000;
	p0 =	sne.s32 s15, $0x9E00  }
0x1e: {  	[spmem:s2] =	stream.indirect.scatter.add.f32 [tilespmem:s12], [sflag:$0x1], $0x80, s16, s13, $0xb8;
	[tilespmem:$0x1A800] =	vst v63  }
.Ltmp0:
0x1f: {  	_ = 	snop;
	(pc) =	sbr.rel @p0 .LBB2_2-.Ltmp0, $4  }
0x20: {  	_ = 	snop  }
0x21: {  	s15 =	sadd.s32 $0x200, s15  }
0x22: {  	_ =	swait.ge [sflag:s11], $0x4000  }
0x23: {  	[sflag:s11] =	ssyncset.done $0x0  }
0x24: {  	s14 =	sadd.s32 $0x1, s14  }
0x25: {  	[sflag:s11] =	ssyncadd.s32 $0xFFFFC000;
	p0 =	sne.s32 s14, s9  }
.Ltmp1:
0x26: {  	[bflag:$0x0] =	sbarrier.arrive $0xFFFF;
	(pc) =	sbr.rel @p0 .LBB2_1-.Ltmp1, $4  }
0x27: {  	[hbm:s8], [sflag:s6] =	dma.local [spmem:s10], $0x2800  }
0x28: {  	_ =	swait.ge [sflag:s11], $0x2800  }
0x29: {  	[sflag:s11] =	ssyncset.done $0x0  }
0x2a: {  	[sflag:s11] =	ssyncadd.s32 $0xFFFFD800  }
0x2b: {  	_ =	sfence.sel $0x180000  }
0x2c: {  	[bflag:$0x0] =	sbarrier.arrive $0xFFFF  }
0x2d: {  	p0 =	sne.s32 s0, $0x0;
	_ =	strace $0x90000047  }
0x2e: {  	s0 =	sadd.s32 @!p0 $0x100000, s1;
	[bflag:$0x2] =	sbarrier.arrive $0xFFFF  }
0x2f: {  	[sflag:s0] =	ssyncadd.tile.s32 @!p0 $0x1;
	_ =	shalt  }
.Lfunc_end2:
_tile_overlayer_lowered:
.L_overlay_start_2:
0x30: {  	(tag) =	ssettag $0x2  }
0x31: {  	s0 =	rddreg [dreg:$0x0];
	s2 =	stileid.u32  }
0x32: {  	s1 =	rddreg [dreg:$0x1];
	p0 =	sne.s32 s2, $0x0  }
0x33: {  	s3 =	rddreg [dreg:$0x2];
	[bflag:$0x3] =	sbarrier.arrive $0xFFFF;
	s2 =	simm.s32 @!p0 $0x1C01  }
0x34: {  	[timem:s3], [sflag:s2] =	dma.local @!p0 [hbm:s0], s1  }
0x35: {  	s0 =	simm.s32 @!p0 $0x1  }
0x36: {  	_ =	swait.ge @!p0 [sflag:s0], s1  }
0x37: {  	s1 =	ssub.s32 @!p0 $0x0, s1;
	[sflag:s0] =	ssyncset.done @!p0 $0x0  }
0x38: {  	[sflag:s0] =	ssyncadd.s32 @!p0 s1  }
0x39: {  	[bflag:$0x3] =	sbarrier.arrive $0xFFFF  }
0x3a: {  	_ =	shalt  }

// kernel: kernel.13.cloned.1.call-start
scs
__scs_entry_jumppad:
0x0: {  	(pc) =	sbr.rel $0x88, $3  }
0x1: {  	(tag) =	ssettag $0x0;
	lr =	simm.s32 $0x1  }
0x2: {  	[smem:$0x3F94] =	sst lr;
	_ =	strace $0xD0000000  }
0x3: {  	_ = 	snop  }
0x4: {  	_ = 	snop  }
0x5: {  	_ = 	snop  }
0x6: {  	_ = 	snop  }
0x7: {  	_ = 	snop  }
__scs_overlays_trampoline_lowered:
0x8: {  	[smem:$0x3FA3] =	sst s0  }
0x9: {  	[smem:$0x3FA4] =	sst s1  }
0xa: {  	[smem:$0x3FA5] =	sst s2  }
0xb: {  	[smem:$0x3FA6] =	sst s3  }
0xc: {  	[smem:$0x3FA7] =	sst s4  }
0xd: {  	[smem:$0x3FA8] =	sst s5  }
0xe: {  	[smem:$0x3FA9] =	sst s6  }
0xf: {  	[smem:$0x3FAA] =	sst s7  }
0x10: {  	[smem:$0x3FAB] =	sst s8  }
0x11: {  	[smem:$0x3FAC] =	sst s9;
	s0 =	simm.s32 @!p0 $0x0  }
0x12: {  	s1 =	sld [smem:$0x3F92];
	s0 =	simm.s32 @p0 $0x1  }
0x13: {  	[smem:$0x3FAD] =	sst s0;
	s0 =	simm.s32 @!p1 $0x0  }
0x14: {  	s2 =	sld [smem:$0x3F91];
	s0 =	simm.s32 @p1 $0x1  }
0x15: {  	[smem:$0x3FAE] =	sst s0;
	s0 =	simm.s32 @!p2 $0x0  }
0x16: {  	s3 =	sld [smem:$0x3FDB];
	s0 =	simm.s32 @p2 $0x1  }
0x17: {  	s4 =	simm.s32 $0x1BF5;
	[smem:$0x3FB0] =	sst s0  }
0x18: {  	s0 =	sld [smem:$0x3F93];
	_ =	swait.ge [sflag:s4], $0x0  }
0x19: {  	s7 =	sld [smem:$0x3F94]  }
0x1a: {  	s8 =	sadd.s32 $0xFFFFE003, lr  }
0x1b: {  	s9 =	sadd.s32 $0xFFFFFEF7, lr;
	s5 =	simm.s32 $0xFFFFFFFF;
	p2 =	slt.u32 s8, $0xFFFFF086  }
0x1c: {  	p1 =	slt.u32 s9, $0xF7A;
	s5 =	simm.s32 @!p2 $0x0  }
0x1d: {  	s5 =	simm.s32 @p1 $0x1;
	p0 =	seq.s32 s7, s2  }
0x1e: {  	s7 =	smul.u32 @!p0 $0xF7A, s2;
	p2 =	seq.s32 @!p0 s5, $0x0  }
0x1f: {  	s9 =	smul.u32 $0xF7A, s1;
	s8 =	simm.s32 @!p0 $0x1BF5;
	p2 =	por !p2, p0  }
0x20: {  	[sflag:s8] =	ssyncset.s32 @!p0 $0xFFFFF086;
	s6 =	sadd.s32 @!p0 s3, s7;
	s7 =	simm.s32 @!p0 $0x108  }
0x21: {  	s3 =	sadd.s32 s3, s9;
	s6 =	sadd.s32 @!p0 $0x88, s6;
	s7 =	simm.s32 @p2 $0x1082  }
0x22: {  	[simem:s7], [sflag:s8] =	dma.local @!p0 [hbm:s6], $0xF7A  }
0x23: {  	s9 =	sor.u32 $0xD0000000, s2;
	s6 =	simm.s32 $0x108;
	_ =	swait.ge @!p0 [sflag:s8], $0x0  }
0x24: {  	s3 =	sadd.s32 $0x88, s3;
	s6 =	simm.s32 @!p1 $0x1082;
	[sflag:s4] =	ssyncset.s32 $0xFFFFF086  }
0x25: {  	[simem:s6], [sflag:s4] =	dma.local [hbm:s3], $0xF7A  }
0x26: {  	[smem:$0x3F94] =	sst s1;
	(tag) =	ssettag s2;
	_ =	strace s9  }
0x27: {  	s1 =	sld [smem:$0x3FA4]  }
0x28: {  	s2 =	sld [smem:$0x3FA5]  }
0x29: {  	s4 =	sld [smem:$0x3FA7]  }
0x2a: {  	p0 =	seq.s32 s5, $0x0;
	s5 =	sld [smem:$0x3FA8]  }
0x2b: {  	s6 =	sld [smem:$0x3FA9]  }
0x2c: {  	s7 =	sld [smem:$0x3FAA]  }
0x2d: {  	s3 =	simm.s32 $0x108;
	s8 =	sld [smem:$0x3FAB]  }
0x2e: {  	s3 =	simm.s32 @!p0 $0x1082;
	s9 =	sld [smem:$0x3FAC]  }
0x2f: {  	lr =	sadd.s32 s0, s3;
	s0 =	sld [smem:$0x3FA3]  }
0x30: {  	s3 =	sld [smem:$0x3FA6]  }
0x31: {  	[smem:$0x3FAF] =	sst s10  }
0x32: {  	s10 =	sld [smem:$0x3FAD];
	_ =	sdelay $0x3  }
0x33: {  	p0 =	seq.s32 s10, $0x1;
	s10 =	sld [smem:$0x3FAF];
	_ =	sdelay $0x3  }
0x34: {  	[smem:$0x3FAF] =	sst s10  }
0x35: {  	s10 =	sld [smem:$0x3FAE];
	_ =	sdelay $0x3  }
0x36: {  	p1 =	seq.s32 s10, $0x1;
	s10 =	sld [smem:$0x3FAF];
	_ =	sdelay $0x3  }
0x37: {  	[smem:$0x3FAF] =	sst s10  }
0x38: {  	s10 =	sld [smem:$0x3FB0]  }
0x39: {  	_ = 	snop;
	(pc) =	sbr.ind lr, $3  }
0x3a: {  	_ = 	snop  }
0x3b: {  	_ = 	snop  }
0x3c: {  	p2 =	seq.s32 s10, $0x1;
	s10 =	sld [smem:$0x3FAF]  }
0x3d: {  	_ =	shalt  }
0x3e: {  	_ =	shalt  }
0x3f: {  	_ =	shalt  }
0x40: {  	_ =	shalt  }
0x41: {  	_ =	shalt  }
0x42: {  	_ =	shalt  }
0x43: {  	_ =	shalt  }
0x44: {  	_ =	shalt  }
0x45: {  	_ =	shalt  }
0x46: {  	_ =	shalt  }
0x47: {  	_ =	shalt  }
0x48: {  	_ =	shalt  }
0x49: {  	_ =	shalt  }
0x4a: {  	_ =	shalt  }
0x4b: {  	_ =	shalt  }
0x4c: {  	_ =	shalt  }
0x4d: {  	_ =	shalt  }
0x4e: {  	_ =	shalt  }
0x4f: {  	_ =	shalt  }
0x50: {  	_ =	shalt  }
0x51: {  	_ =	shalt  }
0x52: {  	_ =	shalt  }
0x53: {  	_ =	shalt  }
0x54: {  	_ =	shalt  }
0x55: {  	_ =	shalt  }
0x56: {  	_ =	shalt  }
0x57: {  	_ =	shalt  }
0x58: {  	_ =	shalt  }
0x59: {  	_ =	shalt  }
0x5a: {  	_ =	shalt  }
0x5b: {  	_ =	shalt  }
0x5c: {  	_ =	shalt  }
0x5d: {  	_ =	shalt  }
0x5e: {  	_ =	shalt  }
0x5f: {  	_ =	shalt  }
0x60: {  	_ =	shalt  }
0x61: {  	_ =	shalt  }
0x62: {  	_ =	shalt  }
0x63: {  	_ =	shalt  }
0x64: {  	_ =	shalt  }
0x65: {  	_ =	shalt  }
0x66: {  	_ =	shalt  }
0x67: {  	_ =	shalt  }
0x68: {  	_ =	shalt  }
0x69: {  	_ =	shalt  }
0x6a: {  	_ =	shalt  }
0x6b: {  	_ =	shalt  }
0x6c: {  	_ =	shalt  }
0x6d: {  	_ =	shalt  }
0x6e: {  	_ =	shalt  }
0x6f: {  	_ =	shalt  }
0x70: {  	_ =	shalt  }
0x71: {  	_ =	shalt  }
0x72: {  	_ =	shalt  }
0x73: {  	_ =	shalt  }
0x74: {  	_ =	shalt  }
0x75: {  	_ =	shalt  }
0x76: {  	_ =	shalt  }
0x77: {  	_ =	shalt  }
0x78: {  	_ =	shalt  }
0x79: {  	_ =	shalt  }
0x7a: {  	_ =	shalt  }
0x7b: {  	_ =	shalt  }
0x7c: {  	_ =	shalt  }
0x7d: {  	_ =	shalt  }
0x7e: {  	_ =	shalt  }
0x7f: {  	_ =	shalt  }
0x80: {  	_ =	shalt  }
0x81: {  	_ =	shalt  }
0x82: {  	_ =	shalt  }
0x83: {  	_ =	shalt  }
0x84: {  	_ =	shalt  }
0x85: {  	_ =	shalt  }
0x86: {  	_ =	shalt  }
0x87: {  	_ =	shalt  }
.Lfunc_end0:
.L_simem_size_0:
called_computation.1_lowered:
.L_overlay_start_0:
0x88: {  	s2 =	sld [smem:$0x3FD9]  }
0x89: {  	s3 =	sld [smem:$0x3FFE];
	_ =	sdelay $0x1  }
0x8a: {  	s1 =	srdreg.scid  }
0x8b: {  	s0 =	sand.u32 $0x1, s1  }
0x8c: {  	s16 =	sshll.u32 s0, $0xA;
	s2 =	sadd.s32 s3, s2  }
0x8d: {  	s2 =	sadd.s32 s2, s16  }
0x8e: {  	[smem:$0x3FBB] =	sst s2  }
0x8f: {  	_ = 	snop  }
0x90: {  	(tm) =	ssettm $0x1  }
0x91: {  	s17 =	sld [smem:$0x3FFB];
	_ =	sdelay $0x3  }
0x92: {  	_ =	strace s17  }
0x93: {  	s2 =	sld [smem:$0x3FFC];
	_ =	sdelay $0x3  }
0x94: {  	_ =	strace s2  }
0x95: {  	s2 =	sld [smem:$0x3FFD];
	_ =	sdelay $0x3  }
0x96: {  	_ =	strace s2  }
0x97: {  	_ =	strace $0x8FFFFFFF  }
0x98: {  	s18 =	sld [smem:$0x3FDB];
	_ =	sdelay $0x1  }
0x99: {  	s19 =	simm.s32 $_scs_section_size  }
0x9a: {  	s4 =	simm.s32 $_size__tile_overlayer_lowered;
	s5 =	simm.s32 $_tile_overlayer_lowered  }
0x9b: {  	s22 =	simm.s32 $0x1BFF;
	s21 =	sshll.u32 s5, $0x1;
	s2 =	sadd.s32 s19, s18  }
0x9c: {  	s6 =	simm.s32 $0x0;
	s20 =	sshll.u32 s4, $0x1;
	s4 =	sadd.s32 s21, s2  }
0x9d: {  	[timem:s6], [sflag:s22] =	dma.local [hbm:s4], s20  }
0x9e: {  	_ =	swait.ge [sflag:s22], s20  }
0x9f: {  	s3 =	ssub.s32 $0x0, s20;
	[sflag:s22] =	ssyncset.done $0x0  }
0xa0: {  	[sflag:s22] =	ssyncadd.s32 s3;
	_ =	sdelay $0x1  }
0xa1: {  	s23 =	simm.s32 $0x1B8B  }
0xa2: {  	_ =	swait.ge [sflag:s23], $0x1  }
0xa3: {  	[sflag:s23] =	ssyncset.done $0x0  }
0xa4: {  	s25 =	simm.s32 $0x1B8E;
	s24 =	sld [smem:$0x3FFE];
	[sflag:s23] =	ssyncadd.s32 $0xFFFFFFFF  }
0xa5: {  	s26 =	simm.s32 $execute0_lowered;
	[smem:$0x3FD2] =	sst s25  }
0xa6: {  	s4 =	sshll.u32 s26, $0x1;
	_ =	strace $0x80000049;
	[dreg:$0x1] =	wrdreg $0xFFFFFFFF  }
0xa7: {  	s28 =	simm.s32 $_size_execute0_lowered;
	s2 =	sadd.s32 s2, s4;
	[dreg:$0x0] =	wrdreg $0x0  }
0xa8: {  	s4 =	sshll.u32 s28, $0x1;
	[dreg:$0x2] =	wrdreg s2  }
0xa9: {  	[dreg:$0x3] =	wrdreg s4  }
0xaa: {  	[dreg:$0x4] =	wrdreg $0xC0  }
0xab: {  	_ =	task [dreg:s6], $0x5FFFF  }
0xac: {  	[dreg:$0x1] =	wrdreg $0xFFFFFFFF  }
0xad: {  	[dreg:$0x0] =	wrdreg $0x60  }
0xae: {  	[dreg:$0x2] =	wrdreg s24  }
0xaf: {  	[dreg:$0x3] =	wrdreg $0x90000  }
0xb0: {  	[dreg:$0x4] =	wrdreg $0x9  }
0xb1: {  	_ =	task.clear_ibuf [dreg:s6], $0x5FFFF;
	_ =	strace $0x90000049  }
0xb2: {  	s29 =	simm.s32 $0x9;
	_ =	strace $0x8000004B  }
0xb3: {  	_ =	swait.ge [sflag:s29], $0x1  }
0xb4: {  	[sflag:s29] =	ssyncadd.s32 $0xFFFFFFFF  }
0xb5: {  	_ =	strace $0x9000004B  }
0xb6: {  	_ =	sfence  }
0xb7: {  	s30 =	sld [smem:$0x0];
	_ =	sdelay $0x2  }
0xb8: {  	s31 =	sshll.u32 s1, $0xD;
	s1 =	sshrl.u32 s1, $0x2  }
0xb9: {  	s3 =	sand.u32 $0x4000, s31;
	s1 =	sadd.s32 s1, s30  }
0xba: {  	s0 =	sor.u32 s3, s0;
	s1 =	sshll.u32 s1, $0x11  }
0xbb: {  	s0 =	sor.u32 s1, s0  }
0xbc: {  	s0 =	sadd.s32 $0x8F2B, s0  }
0xbd: {  	[sflag:s0] =	ssyncadd.remote.s32 $0x1  }
0xbe: {  	_ =	sfence.sel $0xFFFF  }
0xbf: {  	[dreg:$0x0] =	wrdreg $0xFFFFFFFF;
	(pc) =	sbr.abs _section_cstart, $3  }
0xc0: {  	[dreg:$0x1] =	wrdreg $0xFFFFFFFF  }
0xc1: {  	_ =	task.clear_ibuf [dreg:s6], $0x2FFFF;
	_ =	strace $0x9FFFFFFF  }
0xc2: {  	(tm) =	ssettm $0x7FFFFFFF  }
0xc3: {  	_ =	shalt  }
tec
execute0_lowered:
.L_overlay_start_1:
0x0: {  	(tag) =	ssettag $0x1  }
0x1: {  	s0 =	srdreg.scid;
	s7 =	rddreg [dreg:$0x0]  }
0x2: {  	s2 =	rddreg [dreg:$0x1];
	s3 =	simm.s32 $0x0;
	s13 =	simm.s32 $0x2800  }
0x3: {  	s14 =	simm.s32 $0x80;
	s6 =	sand.u32 $0x1, s0;
	s0 =	stileid.u32  }
0x4: {  	s15 =	simm.s32 $0x5000;
	s16 =	simm.s32 $0x1;
	s8 =	smul.u32 $0x2800, s0  }
0x5: {  	s17 =	simm.s32 $0x0;
	[smem:$0x7FF] =	sst s3;
	s9 =	smul.u32 $0x28000, s6  }
0x6: {  	s1 =	sshll.u32 s6, $0x4;
	s11 =	smul.u32 $0x50000, s0;
	s6 =	ssub.s32 $0x2, s6  }
0x7: {  	s31 =	sshll.u32 s0, $0x6;
	s4 =	sor.u32 s0, s1;
	s1 =	rddreg [dreg:$0x2]  }
0x8: {  	_ =	strace $0x8000004A;
	s28 =	sshrl.u32 s6, $0x1;
	s5 =	smul.u32 $0x500, s4  }
0x9: {  	s4 =	sadd.s32 $0x19E00, s7;
	s8 =	sadd.s32 s8, s9;
	s29 =	sshrl.u32 s11, $0x2  }
0xa: {  	s30 =	ssub.s32 s6, s28;
	s6 =	sor.u32 $0x1C02, s31;
	s9 =	sadd.s32 s8, s7  }
0xb: {  	s12 =	sadd.s32 s29, s2;
	s10 =	sadd.s32 s5, s7;
	s5 =	sadd.s32 $0x17600, s7  }
0xc: {  	s9 =	sadd.s32 $0x41E00, s9;
	s11 =	sshrl.u32 s12, $0x3;
	s12 =	simm.s32 $0x2  }
0xd: {  	s7 =	sadd.s32 $0x3600, s10;
	s8 =	sadd.s32 $0xD600, s10;
	s10 =	smax.u32 s30, $0x1  }
.LBB2_1:
0xe: {  	[spmem:s11], [sflag:s6] =	dma.local [hbm:s5], $0x2800  }
0xf: {  	_ =	swait.ge [sflag:s12], $0x2800  }
0x10: {  	[sflag:s12] =	ssyncset.done $0x0  }
0x11: {  	[sflag:s12] =	ssyncadd.s32 $0xFFFFD800  }
0x12: {  	[tilespmem:s3], [sflag:$0x2] =	stream.linear.gather [hbm4b:s7+s3], $0x2800, $0x38;
	[tilespmem:$0x1D000] =	vst v63  }
0x13: {  	_ =	swait.ge [sflag:s12], $0x2800  }
0x14: {  	[sflag:s12] =	ssyncset.done $0x0  }
0x15: {  	[sflag:s12] =	ssyncadd.s32 $0xFFFFD800  }
0x16: {  	[tilespmem:s13], [sflag:$0x2] =	stream.linear.gather [hbm4b:s8+s3], $0x2800, $0x38;
	[tilespmem:$0x1D000] =	vst v63  }
0x17: {  	_ =	swait.ge [sflag:s12], $0x2800  }
0x18: {  	[sflag:s12] =	ssyncset.done $0x0  }
0x19: {  	[sflag:s12] =	ssyncadd.s32 $0xFFFFD800  }
0x1a: {  	s18 =	simm.s32 $0x0;
	[bflag:$0x0] =	sbarrier.arrive $0xFFFF  }
0x1b: {  	[tilespmem:s15], [sflag:$0x1] =	stream.indirect.gather [hbm4b:s4+s14], $0x80, s18, s14, $0xb8;
	[tilespmem:$0x1D000] =	vst v63  }
0x1c: {  	_ =	swait.ge [sflag:s16], $0x4000  }
0x1d: {  	[sflag:s16] =	ssyncset.done $0x0  }
0x1e: {  	s31 =	simm.s32 $0x2800;
	[sflag:s16] =	ssyncadd.s32 $0xFFFFC000  }
0x1f: {  	[spmem:s2] =	stream.indirect.scatter.add.f32 [tilespmem:s15], [sflag:$0x2], $0x80, s31, s14, $0xb8;
	[tilespmem:$0x1D000] =	vst v63  }
0x20: {  	_ =	swait.ge [sflag:s12], $0x4000  }
0x21: {  	s19 =	simm.s32 $0x400;
	s18 =	simm.s32 $0x200;
	[sflag:s12] =	ssyncset.done $0x0  }
.LBB2_2:
0x22: {  	s20 =	sshra.s32 s18, $0x2  }
0x23: {  	[sflag:s12] =	ssyncadd.s32 $0xFFFFC000;
	s18 =	smov.u32 s19;
	s21 =	sadd.s32 $0x200, s19  }
0x24: {  	[tilespmem:s15], [sflag:$0x1] =	stream.indirect.gather [hbm4b:s4+s14], $0x80, s20, s14, $0xb8;
	[tilespmem:$0x1D000] =	vst v63  }
0x25: {  	p0 =	sne.s32 s19, $0x9E00;
	_ =	swait.ge [sflag:s16], $0x4000  }
.Ltmp0:
0x26: {  	[sflag:s16] =	ssyncset.done $0x0;
	(pc) =	sbr.rel @p0 .LBB2_2-.Ltmp0, $4  }
0x27: {  	s19 =	sadd.s32 $0x2800, s20;
	[sflag:s16] =	ssyncadd.s32 $0xFFFFC000  }
0x28: {  	[spmem:s2] =	stream.indirect.scatter.add.f32 [tilespmem:s15], [sflag:$0x2], $0x80, s19, s14, $0xb8;
	[tilespmem:$0x1D000] =	vst v63  }
0x29: {  	_ =	swait.ge [sflag:s12], $0x4000  }
0x2a: {  	s19 =	smov.u32 s21;
	[sflag:s12] =	ssyncset.done $0x0  }
0x2b: {  	s18 =	sshra.s32 s18, $0x2;
	[sflag:s12] =	ssyncadd.s32 $0xFFFFC000  }
0x2c: {  	[tilespmem:s15], [sflag:$0x1] =	stream.indirect.gather [hbm4b:s4+s14], $0x80, s18, s14, $0xb8;
	[tilespmem:$0x1D000] =	vst v63  }
0x2d: {  	_ =	swait.ge [sflag:s16], $0x4000  }
0x2e: {  	[sflag:s16] =	ssyncset.done $0x0  }
0x2f: {  	s18 =	sadd.s32 $0x2800, s18;
	[sflag:s16] =	ssyncadd.s32 $0xFFFFC000  }
0x30: {  	[spmem:s2] =	stream.indirect.scatter.add.f32 [tilespmem:s15], [sflag:$0x2], $0x80, s18, s14, $0xb8;
	[tilespmem:$0x1D000] =	vst v63  }
0x31: {  	_ =	swait.ge [sflag:s12], $0x4000  }
0x32: {  	s17 =	sadd.s32 $0x1, s17;
	[sflag:s12] =	ssyncset.done $0x0  }
0x33: {  	p0 =	sne.s32 s17, s10;
	[sflag:s12] =	ssyncadd.s32 $0xFFFFC000  }
.Ltmp1:
0x34: {  	[bflag:$0x0] =	sbarrier.arrive $0xFFFF;
	(pc) =	sbr.rel @p0 .LBB2_1-.Ltmp1, $4  }
0x35: {  	[hbm:s9], [sflag:s6] =	dma.local [spmem:s11], $0x2800  }
0x36: {  	_ =	swait.ge [sflag:s12], $0x2800  }
0x37: {  	[sflag:s12] =	ssyncset.done $0x0  }
0x38: {  	[sflag:s12] =	ssyncadd.s32 $0xFFFFD800  }
0x39: {  	_ =	sfence.sel $0x180000  }
0x3a: {  	[bflag:$0x0] =	sbarrier.arrive $0xFFFF  }
0x3b: {  	p0 =	sne.s32 s0, $0x0;
	_ =	strace $0x9000004A  }
0x3c: {  	s0 =	sadd.s32 @!p0 $0x100000, s1;
	[bflag:$0x2] =	sbarrier.arrive $0xFFFF  }
0x3d: {  	[sflag:s0] =	ssyncadd.tile.s32 @!p0 $0x1;
	_ =	shalt  }
.Lfunc_end2:
_tile_overlayer_lowered:
.L_overlay_start_2:
0x3e: {  	(tag) =	ssettag $0x2  }
0x3f: {  	s0 =	rddreg [dreg:$0x0];
	s2 =	stileid.u32  }
0x40: {  	s1 =	rddreg [dreg:$0x1];
	p0 =	sne.s32 s2, $0x0  }
0x41: {  	s3 =	rddreg [dreg:$0x2];
	[bflag:$0x3] =	sbarrier.arrive $0xFFFF;
	s2 =	simm.s32 @!p0 $0x1C02  }
0x42: {  	[timem:s3], [sflag:s2] =	dma.local @!p0 [hbm:s0], s1  }
0x43: {  	s0 =	simm.s32 @!p0 $0x2  }
0x44: {  	_ =	swait.ge @!p0 [sflag:s0], s1  }
0x45: {  	s1 =	ssub.s32 @!p0 $0x0, s1;
	[sflag:s0] =	ssyncset.done @!p0 $0x0  }
0x46: {  	[sflag:s0] =	ssyncadd.s32 @!p0 s1  }
0x47: {  	[bflag:$0x3] =	sbarrier.arrive $0xFFFF  }
0x48: {  	_ =	shalt  }

// kernel: kernel.16.cloned.1.call-start
scs
__scs_entry_jumppad:
0x0: {  	(pc) =	sbr.rel $0x88, $3  }
0x1: {  	(tag) =	ssettag $0x0;
	lr =	simm.s32 $0x1  }
0x2: {  	[smem:$0x3F94] =	sst lr;
	_ =	strace $0xD0000000  }
0x3: {  	_ = 	snop  }
0x4: {  	_ = 	snop  }
0x5: {  	_ = 	snop  }
0x6: {  	_ = 	snop  }
0x7: {  	_ = 	snop  }
__scs_overlays_trampoline_lowered:
0x8: {  	[smem:$0x3FA3] =	sst s0  }
0x9: {  	[smem:$0x3FA4] =	sst s1  }
0xa: {  	[smem:$0x3FA5] =	sst s2  }
0xb: {  	[smem:$0x3FA6] =	sst s3  }
0xc: {  	[smem:$0x3FA7] =	sst s4  }
0xd: {  	[smem:$0x3FA8] =	sst s5  }
0xe: {  	[smem:$0x3FA9] =	sst s6  }
0xf: {  	[smem:$0x3FAA] =	sst s7  }
0x10: {  	[smem:$0x3FAB] =	sst s8  }
0x11: {  	[smem:$0x3FAC] =	sst s9;
	s0 =	simm.s32 @!p0 $0x0  }
0x12: {  	s1 =	sld [smem:$0x3F92];
	s0 =	simm.s32 @p0 $0x1  }
0x13: {  	[smem:$0x3FAD] =	sst s0;
	s0 =	simm.s32 @!p1 $0x0  }
0x14: {  	s2 =	sld [smem:$0x3F91];
	s0 =	simm.s32 @p1 $0x1  }
0x15: {  	[smem:$0x3FAE] =	sst s0;
	s0 =	simm.s32 @!p2 $0x0  }
0x16: {  	s3 =	sld [smem:$0x3FDB];
	s0 =	simm.s32 @p2 $0x1  }
0x17: {  	s4 =	simm.s32 $0x1BF5;
	[smem:$0x3FB0] =	sst s0  }
0x18: {  	s0 =	sld [smem:$0x3F93];
	_ =	swait.ge [sflag:s4], $0x0  }
0x19: {  	s7 =	sld [smem:$0x3F94]  }
0x1a: {  	s8 =	sadd.s32 $0xFFFFE003, lr  }
0x1b: {  	s9 =	sadd.s32 $0xFFFFFEF7, lr;
	s5 =	simm.s32 $0xFFFFFFFF;
	p2 =	slt.u32 s8, $0xFFFFF086  }
0x1c: {  	p1 =	slt.u32 s9, $0xF7A;
	s5 =	simm.s32 @!p2 $0x0  }
0x1d: {  	s5 =	simm.s32 @p1 $0x1;
	p0 =	seq.s32 s7, s2  }
0x1e: {  	s7 =	smul.u32 @!p0 $0xF7A, s2;
	p2 =	seq.s32 @!p0 s5, $0x0  }
0x1f: {  	s9 =	smul.u32 $0xF7A, s1;
	s8 =	simm.s32 @!p0 $0x1BF5;
	p2 =	por !p2, p0  }
0x20: {  	[sflag:s8] =	ssyncset.s32 @!p0 $0xFFFFF086;
	s6 =	sadd.s32 @!p0 s3, s7;
	s7 =	simm.s32 @!p0 $0x108  }
0x21: {  	s3 =	sadd.s32 s3, s9;
	s6 =	sadd.s32 @!p0 $0x88, s6;
	s7 =	simm.s32 @p2 $0x1082  }
0x22: {  	[simem:s7], [sflag:s8] =	dma.local @!p0 [hbm:s6], $0xF7A  }
0x23: {  	s9 =	sor.u32 $0xD0000000, s2;
	s6 =	simm.s32 $0x108;
	_ =	swait.ge @!p0 [sflag:s8], $0x0  }
0x24: {  	s3 =	sadd.s32 $0x88, s3;
	s6 =	simm.s32 @!p1 $0x1082;
	[sflag:s4] =	ssyncset.s32 $0xFFFFF086  }
0x25: {  	[simem:s6], [sflag:s4] =	dma.local [hbm:s3], $0xF7A  }
0x26: {  	[smem:$0x3F94] =	sst s1;
	(tag) =	ssettag s2;
	_ =	strace s9  }
0x27: {  	s1 =	sld [smem:$0x3FA4]  }
0x28: {  	s2 =	sld [smem:$0x3FA5]  }
0x29: {  	s4 =	sld [smem:$0x3FA7]  }
0x2a: {  	p0 =	seq.s32 s5, $0x0;
	s5 =	sld [smem:$0x3FA8]  }
0x2b: {  	s6 =	sld [smem:$0x3FA9]  }
0x2c: {  	s7 =	sld [smem:$0x3FAA]  }
0x2d: {  	s3 =	simm.s32 $0x108;
	s8 =	sld [smem:$0x3FAB]  }
0x2e: {  	s3 =	simm.s32 @!p0 $0x1082;
	s9 =	sld [smem:$0x3FAC]  }
0x2f: {  	lr =	sadd.s32 s0, s3;
	s0 =	sld [smem:$0x3FA3]  }
0x30: {  	s3 =	sld [smem:$0x3FA6]  }
0x31: {  	[smem:$0x3FAF] =	sst s10  }
0x32: {  	s10 =	sld [smem:$0x3FAD];
	_ =	sdelay $0x3  }
0x33: {  	p0 =	seq.s32 s10, $0x1;
	s10 =	sld [smem:$0x3FAF];
	_ =	sdelay $0x3  }
0x34: {  	[smem:$0x3FAF] =	sst s10  }
0x35: {  	s10 =	sld [smem:$0x3FAE];
	_ =	sdelay $0x3  }
0x36: {  	p1 =	seq.s32 s10, $0x1;
	s10 =	sld [smem:$0x3FAF];
	_ =	sdelay $0x3  }
0x37: {  	[smem:$0x3FAF] =	sst s10  }
0x38: {  	s10 =	sld [smem:$0x3FB0]  }
0x39: {  	_ = 	snop;
	(pc) =	sbr.ind lr, $3  }
0x3a: {  	_ = 	snop  }
0x3b: {  	_ = 	snop  }
0x3c: {  	p2 =	seq.s32 s10, $0x1;
	s10 =	sld [smem:$0x3FAF]  }
0x3d: {  	_ =	shalt  }
0x3e: {  	_ =	shalt  }
0x3f: {  	_ =	shalt  }
0x40: {  	_ =	shalt  }
0x41: {  	_ =	shalt  }
0x42: {  	_ =	shalt  }
0x43: {  	_ =	shalt  }
0x44: {  	_ =	shalt  }
0x45: {  	_ =	shalt  }
0x46: {  	_ =	shalt  }
0x47: {  	_ =	shalt  }
0x48: {  	_ =	shalt  }
0x49: {  	_ =	shalt  }
0x4a: {  	_ =	shalt  }
0x4b: {  	_ =	shalt  }
0x4c: {  	_ =	shalt  }
0x4d: {  	_ =	shalt  }
0x4e: {  	_ =	shalt  }
0x4f: {  	_ =	shalt  }
0x50: {  	_ =	shalt  }
0x51: {  	_ =	shalt  }
0x52: {  	_ =	shalt  }
0x53: {  	_ =	shalt  }
0x54: {  	_ =	shalt  }
0x55: {  	_ =	shalt  }
0x56: {  	_ =	shalt  }
0x57: {  	_ =	shalt  }
0x58: {  	_ =	shalt  }
0x59: {  	_ =	shalt  }
0x5a: {  	_ =	shalt  }
0x5b: {  	_ =	shalt  }
0x5c: {  	_ =	shalt  }
0x5d: {  	_ =	shalt  }
0x5e: {  	_ =	shalt  }
0x5f: {  	_ =	shalt  }
0x60: {  	_ =	shalt  }
0x61: {  	_ =	shalt  }
0x62: {  	_ =	shalt  }
0x63: {  	_ =	shalt  }
0x64: {  	_ =	shalt  }
0x65: {  	_ =	shalt  }
0x66: {  	_ =	shalt  }
0x67: {  	_ =	shalt  }
0x68: {  	_ =	shalt  }
0x69: {  	_ =	shalt  }
0x6a: {  	_ =	shalt  }
0x6b: {  	_ =	shalt  }
0x6c: {  	_ =	shalt  }
0x6d: {  	_ =	shalt  }
0x6e: {  	_ =	shalt  }
0x6f: {  	_ =	shalt  }
0x70: {  	_ =	shalt  }
0x71: {  	_ =	shalt  }
0x72: {  	_ =	shalt  }
0x73: {  	_ =	shalt  }
0x74: {  	_ =	shalt  }
0x75: {  	_ =	shalt  }
0x76: {  	_ =	shalt  }
0x77: {  	_ =	shalt  }
0x78: {  	_ =	shalt  }
0x79: {  	_ =	shalt  }
0x7a: {  	_ =	shalt  }
0x7b: {  	_ =	shalt  }
0x7c: {  	_ =	shalt  }
0x7d: {  	_ =	shalt  }
0x7e: {  	_ =	shalt  }
0x7f: {  	_ =	shalt  }
0x80: {  	_ =	shalt  }
0x81: {  	_ =	shalt  }
0x82: {  	_ =	shalt  }
0x83: {  	_ =	shalt  }
0x84: {  	_ =	shalt  }
0x85: {  	_ =	shalt  }
0x86: {  	_ =	shalt  }
0x87: {  	_ =	shalt  }
.Lfunc_end0:
.L_simem_size_0:
called_computation.2_lowered:
.L_overlay_start_0:
0x88: {  	s2 =	sld [smem:$0x3FD9]  }
0x89: {  	s3 =	sld [smem:$0x3FFE];
	_ =	sdelay $0x1  }
0x8a: {  	s1 =	srdreg.scid  }
0x8b: {  	s0 =	sand.u32 $0x1, s1  }
0x8c: {  	s16 =	sshll.u32 s0, $0xA;
	s2 =	sadd.s32 s3, s2  }
0x8d: {  	s2 =	sadd.s32 s2, s16  }
0x8e: {  	[smem:$0x3FBB] =	sst s2  }
0x8f: {  	_ = 	snop  }
0x90: {  	(tm) =	ssettm $0x1  }
0x91: {  	s17 =	sld [smem:$0x3FFB];
	_ =	sdelay $0x3  }
0x92: {  	_ =	strace s17  }
0x93: {  	s2 =	sld [smem:$0x3FFC];
	_ =	sdelay $0x3  }
0x94: {  	_ =	strace s2  }
0x95: {  	s2 =	sld [smem:$0x3FFD];
	_ =	sdelay $0x3  }
0x96: {  	_ =	strace s2  }
0x97: {  	_ =	strace $0x8FFFFFFF  }
0x98: {  	s18 =	sld [smem:$0x3FDB];
	_ =	sdelay $0x1  }
0x99: {  	s19 =	simm.s32 $_scs_section_size  }
0x9a: {  	s4 =	simm.s32 $_size__tile_overlayer_lowered;
	s5 =	simm.s32 $_tile_overlayer_lowered  }
0x9b: {  	s22 =	simm.s32 $0x1BFF;
	s21 =	sshll.u32 s5, $0x1;
	s2 =	sadd.s32 s19, s18  }
0x9c: {  	s6 =	simm.s32 $0x0;
	s20 =	sshll.u32 s4, $0x1;
	s4 =	sadd.s32 s21, s2  }
0x9d: {  	[timem:s6], [sflag:s22] =	dma.local [hbm:s4], s20  }
0x9e: {  	_ =	swait.ge [sflag:s22], s20  }
0x9f: {  	s3 =	ssub.s32 $0x0, s20;
	[sflag:s22] =	ssyncset.done $0x0  }
0xa0: {  	[sflag:s22] =	ssyncadd.s32 s3;
	_ =	sdelay $0x1  }
0xa1: {  	s23 =	simm.s32 $0x1B8B  }
0xa2: {  	_ =	swait.ge [sflag:s23], $0x1  }
0xa3: {  	[sflag:s23] =	ssyncset.done $0x0  }
0xa4: {  	s25 =	simm.s32 $0x1B8E;
	s24 =	sld [smem:$0x3FFE];
	[sflag:s23] =	ssyncadd.s32 $0xFFFFFFFF  }
0xa5: {  	s26 =	simm.s32 $execute0_lowered;
	[smem:$0x3FD2] =	sst s25  }
0xa6: {  	s4 =	sshll.u32 s26, $0x1;
	_ =	strace $0x8000004C;
	[dreg:$0x1] =	wrdreg $0xFFFFFFFF  }
0xa7: {  	s28 =	simm.s32 $_size_execute0_lowered;
	s2 =	sadd.s32 s2, s4;
	[dreg:$0x0] =	wrdreg $0x0  }
0xa8: {  	s4 =	sshll.u32 s28, $0x1;
	[dreg:$0x2] =	wrdreg s2  }
0xa9: {  	[dreg:$0x3] =	wrdreg s4  }
0xaa: {  	[dreg:$0x4] =	wrdreg $0xC0  }
0xab: {  	_ =	task [dreg:s6], $0x5FFFF  }
0xac: {  	[dreg:$0x1] =	wrdreg $0xFFFFFFFF  }
0xad: {  	[dreg:$0x0] =	wrdreg $0x60  }
0xae: {  	[dreg:$0x2] =	wrdreg s24  }
0xaf: {  	[dreg:$0x3] =	wrdreg $0x90000  }
0xb0: {  	[dreg:$0x4] =	wrdreg $0x9  }
0xb1: {  	_ =	task.clear_ibuf [dreg:s6], $0x5FFFF;
	_ =	strace $0x9000004C  }
0xb2: {  	s29 =	simm.s32 $0x9;
	_ =	strace $0x8000004E  }
0xb3: {  	_ =	swait.ge [sflag:s29], $0x1  }
0xb4: {  	[sflag:s29] =	ssyncadd.s32 $0xFFFFFFFF  }
0xb5: {  	_ =	strace $0x9000004E  }
0xb6: {  	_ =	sfence  }
0xb7: {  	s30 =	sld [smem:$0x0];
	_ =	sdelay $0x2  }
0xb8: {  	s31 =	sshll.u32 s1, $0xD;
	s1 =	sshrl.u32 s1, $0x2  }
0xb9: {  	s3 =	sand.u32 $0x4000, s31;
	s1 =	sadd.s32 s1, s30  }
0xba: {  	s0 =	sor.u32 s3, s0;
	s1 =	sshll.u32 s1, $0x11  }
0xbb: {  	s0 =	sor.u32 s1, s0  }
0xbc: {  	s0 =	sadd.s32 $0x8F2B, s0  }
0xbd: {  	[sflag:s0] =	ssyncadd.remote.s32 $0x1  }
0xbe: {  	_ =	sfence.sel $0xFFFF  }
0xbf: {  	[dreg:$0x0] =	wrdreg $0xFFFFFFFF;
	(pc) =	sbr.abs _section_cstart, $3  }
0xc0: {  	[dreg:$0x1] =	wrdreg $0xFFFFFFFF  }
0xc1: {  	_ =	task.clear_ibuf [dreg:s6], $0x2FFFF;
	_ =	strace $0x9FFFFFFF  }
0xc2: {  	(tm) =	ssettm $0x7FFFFFFF  }
0xc3: {  	_ =	shalt  }
tec
execute0_lowered:
.L_overlay_start_1:
0x0: {  	(tag) =	ssettag $0x1  }
0x1: {  	s0 =	srdreg.scid;
	s7 =	rddreg [dreg:$0x0]  }
0x2: {  	s2 =	rddreg [dreg:$0x1];
	s3 =	simm.s32 $0x0;
	s13 =	simm.s32 $0x2800  }
0x3: {  	s14 =	simm.s32 $0x80;
	s6 =	sand.u32 $0x1, s0;
	s0 =	stileid.u32  }
0x4: {  	s15 =	simm.s32 $0x5000;
	s16 =	simm.s32 $0x1;
	s8 =	smul.u32 $0x2800, s0  }
0x5: {  	s17 =	simm.s32 $0x0;
	[smem:$0x7FF] =	sst s3;
	s9 =	smul.u32 $0x28000, s6  }
0x6: {  	s1 =	sshll.u32 s6, $0x4;
	s11 =	smul.u32 $0x50000, s0;
	s6 =	ssub.s32 $0x2, s6  }
0x7: {  	s31 =	sshll.u32 s0, $0x6;
	s4 =	sor.u32 s0, s1;
	s1 =	rddreg [dreg:$0x2]  }
0x8: {  	_ =	strace $0x8000004D;
	s28 =	sshrl.u32 s6, $0x1;
	s5 =	smul.u32 $0x500, s4  }
0x9: {  	s4 =	sadd.s32 $0x19E00, s7;
	s8 =	sadd.s32 s8, s9;
	s29 =	sshrl.u32 s11, $0x2  }
0xa: {  	s30 =	ssub.s32 s6, s28;
	s6 =	sor.u32 $0x1C02, s31;
	s9 =	sadd.s32 s8, s7  }
0xb: {  	s12 =	sadd.s32 s29, s2;
	s10 =	sadd.s32 s5, s7;
	s5 =	sadd.s32 $0x17600, s7  }
0xc: {  	s9 =	sadd.s32 $0x41E00, s9;
	s11 =	sshrl.u32 s12, $0x3;
	s12 =	simm.s32 $0x2  }
0xd: {  	s7 =	sadd.s32 $0x3600, s10;
	s8 =	sadd.s32 $0xD600, s10;
	s10 =	smax.u32 s30, $0x1  }
.LBB2_1:
0xe: {  	[spmem:s11], [sflag:s6] =	dma.local [hbm:s5], $0x2800  }
0xf: {  	_ =	swait.ge [sflag:s12], $0x2800  }
0x10: {  	[sflag:s12] =	ssyncset.done $0x0  }
0x11: {  	[sflag:s12] =	ssyncadd.s32 $0xFFFFD800  }
0x12: {  	[tilespmem:s3], [sflag:$0x2] =	stream.linear.gather [hbm4b:s7+s3], $0x2800, $0x38;
	[tilespmem:$0x1D000] =	vst v63  }
0x13: {  	_ =	swait.ge [sflag:s12], $0x2800  }
0x14: {  	[sflag:s12] =	ssyncset.done $0x0  }
0x15: {  	[sflag:s12] =	ssyncadd.s32 $0xFFFFD800  }
0x16: {  	[tilespmem:s13], [sflag:$0x2] =	stream.linear.gather [hbm4b:s8+s3], $0x2800, $0x38;
	[tilespmem:$0x1D000] =	vst v63  }
0x17: {  	_ =	swait.ge [sflag:s12], $0x2800  }
0x18: {  	[sflag:s12] =	ssyncset.done $0x0  }
0x19: {  	[sflag:s12] =	ssyncadd.s32 $0xFFFFD800  }
0x1a: {  	s18 =	simm.s32 $0x0;
	[bflag:$0x0] =	sbarrier.arrive $0xFFFF  }
0x1b: {  	[tilespmem:s15], [sflag:$0x1] =	stream.indirect.gather [hbm4b:s4+s14], $0x80, s18, s14, $0xb8;
	[tilespmem:$0x1D000] =	vst v63  }
0x1c: {  	_ =	swait.ge [sflag:s16], $0x4000  }
0x1d: {  	[sflag:s16] =	ssyncset.done $0x0  }
0x1e: {  	s31 =	simm.s32 $0x2800;
	[sflag:s16] =	ssyncadd.s32 $0xFFFFC000  }
0x1f: {  	[spmem:s2] =	stream.indirect.scatter.add.f32 [tilespmem:s15], [sflag:$0x2], $0x80, s31, s14, $0xb8;
	[tilespmem:$0x1D000] =	vst v63  }
0x20: {  	_ =	swait.ge [sflag:s12], $0x4000  }
0x21: {  	s19 =	simm.s32 $0x400;
	s18 =	simm.s32 $0x200;
	[sflag:s12] =	ssyncset.done $0x0  }
.LBB2_2:
0x22: {  	s20 =	sshra.s32 s18, $0x2  }
0x23: {  	[sflag:s12] =	ssyncadd.s32 $0xFFFFC000;
	s18 =	smov.u32 s19;
	s21 =	sadd.s32 $0x200, s19  }
0x24: {  	[tilespmem:s15], [sflag:$0x1] =	stream.indirect.gather [hbm4b:s4+s14], $0x80, s20, s14, $0xb8;
	[tilespmem:$0x1D000] =	vst v63  }
0x25: {  	p0 =	sne.s32 s19, $0x9E00;
	_ =	swait.ge [sflag:s16], $0x4000  }
.Ltmp0:
0x26: {  	[sflag:s16] =	ssyncset.done $0x0;
	(pc) =	sbr.rel @p0 .LBB2_2-.Ltmp0, $4  }
0x27: {  	s19 =	sadd.s32 $0x2800, s20;
	[sflag:s16] =	ssyncadd.s32 $0xFFFFC000  }
0x28: {  	[spmem:s2] =	stream.indirect.scatter.add.f32 [tilespmem:s15], [sflag:$0x2], $0x80, s19, s14, $0xb8;
	[tilespmem:$0x1D000] =	vst v63  }
0x29: {  	_ =	swait.ge [sflag:s12], $0x4000  }
0x2a: {  	s19 =	smov.u32 s21;
	[sflag:s12] =	ssyncset.done $0x0  }
0x2b: {  	s18 =	sshra.s32 s18, $0x2;
	[sflag:s12] =	ssyncadd.s32 $0xFFFFC000  }
0x2c: {  	[tilespmem:s15], [sflag:$0x1] =	stream.indirect.gather [hbm4b:s4+s14], $0x80, s18, s14, $0xb8;
	[tilespmem:$0x1D000] =	vst v63  }
0x2d: {  	_ =	swait.ge [sflag:s16], $0x4000  }
0x2e: {  	[sflag:s16] =	ssyncset.done $0x0  }
0x2f: {  	s18 =	sadd.s32 $0x2800, s18;
	[sflag:s16] =	ssyncadd.s32 $0xFFFFC000  }
0x30: {  	[spmem:s2] =	stream.indirect.scatter.add.f32 [tilespmem:s15], [sflag:$0x2], $0x80, s18, s14, $0xb8;
	[tilespmem:$0x1D000] =	vst v63  }
0x31: {  	_ =	swait.ge [sflag:s12], $0x4000  }
0x32: {  	s17 =	sadd.s32 $0x1, s17;
	[sflag:s12] =	ssyncset.done $0x0  }
0x33: {  	p0 =	sne.s32 s17, s10;
	[sflag:s12] =	ssyncadd.s32 $0xFFFFC000  }
.Ltmp1:
0x34: {  	[bflag:$0x0] =	sbarrier.arrive $0xFFFF;
	(pc) =	sbr.rel @p0 .LBB2_1-.Ltmp1, $4  }
0x35: {  	[hbm:s9], [sflag:s6] =	dma.local [spmem:s11], $0x2800  }
0x36: {  	_ =	swait.ge [sflag:s12], $0x2800  }
0x37: {  	[sflag:s12] =	ssyncset.done $0x0  }
0x38: {  	[sflag:s12] =	ssyncadd.s32 $0xFFFFD800  }
0x39: {  	_ =	sfence.sel $0x180000  }
0x3a: {  	[bflag:$0x0] =	sbarrier.arrive $0xFFFF  }
0x3b: {  	p0 =	sne.s32 s0, $0x0;
	_ =	strace $0x9000004D  }
0x3c: {  	s0 =	sadd.s32 @!p0 $0x100000, s1;
	[bflag:$0x2] =	sbarrier.arrive $0xFFFF  }
0x3d: {  	[sflag:s0] =	ssyncadd.tile.s32 @!p0 $0x1;
	_ =	shalt  }
.Lfunc_end2:
_tile_overlayer_lowered:
.L_overlay_start_2:
0x3e: {  	(tag) =	ssettag $0x2  }
0x3f: {  	s0 =	rddreg [dreg:$0x0];
	s2 =	stileid.u32  }
0x40: {  	s1 =	rddreg [dreg:$0x1];
	p0 =	sne.s32 s2, $0x0  }
0x41: {  	s3 =	rddreg [dreg:$0x2];
	[bflag:$0x3] =	sbarrier.arrive $0xFFFF;
	s2 =	simm.s32 @!p0 $0x1C02  }
0x42: {  	[timem:s3], [sflag:s2] =	dma.local @!p0 [hbm:s0], s1  }
0x43: {  	s0 =	simm.s32 @!p0 $0x2  }
0x44: {  	_ =	swait.ge @!p0 [sflag:s0], s1  }
0x45: {  	s1 =	ssub.s32 @!p0 $0x0, s1;
	[sflag:s0] =	ssyncset.done @!p0 $0x0  }
0x46: {  	[sflag:s0] =	ssyncadd.s32 @!p0 s1  }
0x47: {  	[bflag:$0x3] =	sbarrier.arrive $0xFFFF  }
0x48: {  	_ =	shalt  }

// kernel: kernel.19.cloned.1.call-start
scs
__scs_entry_jumppad:
0x0: {  	(pc) =	sbr.rel $0x88, $3  }
0x1: {  	(tag) =	ssettag $0x0;
	lr =	simm.s32 $0x1  }
0x2: {  	[smem:$0x3F94] =	sst lr;
	_ =	strace $0xD0000000  }
0x3: {  	_ = 	snop  }
0x4: {  	_ = 	snop  }
0x5: {  	_ = 	snop  }
0x6: {  	_ = 	snop  }
0x7: {  	_ = 	snop  }
__scs_overlays_trampoline_lowered:
0x8: {  	[smem:$0x3FA3] =	sst s0  }
0x9: {  	[smem:$0x3FA4] =	sst s1  }
0xa: {  	[smem:$0x3FA5] =	sst s2  }
0xb: {  	[smem:$0x3FA6] =	sst s3  }
0xc: {  	[smem:$0x3FA7] =	sst s4  }
0xd: {  	[smem:$0x3FA8] =	sst s5  }
0xe: {  	[smem:$0x3FA9] =	sst s6  }
0xf: {  	[smem:$0x3FAA] =	sst s7  }
0x10: {  	[smem:$0x3FAB] =	sst s8  }
0x11: {  	[smem:$0x3FAC] =	sst s9;
	s0 =	simm.s32 @!p0 $0x0  }
0x12: {  	s1 =	sld [smem:$0x3F92];
	s0 =	simm.s32 @p0 $0x1  }
0x13: {  	[smem:$0x3FAD] =	sst s0;
	s0 =	simm.s32 @!p1 $0x0  }
0x14: {  	s2 =	sld [smem:$0x3F91];
	s0 =	simm.s32 @p1 $0x1  }
0x15: {  	[smem:$0x3FAE] =	sst s0;
	s0 =	simm.s32 @!p2 $0x0  }
0x16: {  	s3 =	sld [smem:$0x3FDB];
	s0 =	simm.s32 @p2 $0x1  }
0x17: {  	s4 =	simm.s32 $0x1BF5;
	[smem:$0x3FB0] =	sst s0  }
0x18: {  	s0 =	sld [smem:$0x3F93];
	_ =	swait.ge [sflag:s4], $0x0  }
0x19: {  	s7 =	sld [smem:$0x3F94]  }
0x1a: {  	s8 =	sadd.s32 $0xFFFFE003, lr  }
0x1b: {  	s9 =	sadd.s32 $0xFFFFFEF7, lr;
	s5 =	simm.s32 $0xFFFFFFFF;
	p2 =	slt.u32 s8, $0xFFFFF086  }
0x1c: {  	p1 =	slt.u32 s9, $0xF7A;
	s5 =	simm.s32 @!p2 $0x0  }
0x1d: {  	s5 =	simm.s32 @p1 $0x1;
	p0 =	seq.s32 s7, s2  }
0x1e: {  	s7 =	smul.u32 @!p0 $0xF7A, s2;
	p2 =	seq.s32 @!p0 s5, $0x0  }
0x1f: {  	s9 =	smul.u32 $0xF7A, s1;
	s8 =	simm.s32 @!p0 $0x1BF5;
	p2 =	por !p2, p0  }
0x20: {  	[sflag:s8] =	ssyncset.s32 @!p0 $0xFFFFF086;
	s6 =	sadd.s32 @!p0 s3, s7;
	s7 =	simm.s32 @!p0 $0x108  }
0x21: {  	s3 =	sadd.s32 s3, s9;
	s6 =	sadd.s32 @!p0 $0x88, s6;
	s7 =	simm.s32 @p2 $0x1082  }
0x22: {  	[simem:s7], [sflag:s8] =	dma.local @!p0 [hbm:s6], $0xF7A  }
0x23: {  	s9 =	sor.u32 $0xD0000000, s2;
	s6 =	simm.s32 $0x108;
	_ =	swait.ge @!p0 [sflag:s8], $0x0  }
0x24: {  	s3 =	sadd.s32 $0x88, s3;
	s6 =	simm.s32 @!p1 $0x1082;
	[sflag:s4] =	ssyncset.s32 $0xFFFFF086  }
0x25: {  	[simem:s6], [sflag:s4] =	dma.local [hbm:s3], $0xF7A  }
0x26: {  	[smem:$0x3F94] =	sst s1;
	(tag) =	ssettag s2;
	_ =	strace s9  }
0x27: {  	s1 =	sld [smem:$0x3FA4]  }
0x28: {  	s2 =	sld [smem:$0x3FA5]  }
0x29: {  	s4 =	sld [smem:$0x3FA7]  }
0x2a: {  	p0 =	seq.s32 s5, $0x0;
	s5 =	sld [smem:$0x3FA8]  }
0x2b: {  	s6 =	sld [smem:$0x3FA9]  }
0x2c: {  	s7 =	sld [smem:$0x3FAA]  }
0x2d: {  	s3 =	simm.s32 $0x108;
	s8 =	sld [smem:$0x3FAB]  }
0x2e: {  	s3 =	simm.s32 @!p0 $0x1082;
	s9 =	sld [smem:$0x3FAC]  }
0x2f: {  	lr =	sadd.s32 s0, s3;
	s0 =	sld [smem:$0x3FA3]  }
0x30: {  	s3 =	sld [smem:$0x3FA6]  }
0x31: {  	[smem:$0x3FAF] =	sst s10  }
0x32: {  	s10 =	sld [smem:$0x3FAD];
	_ =	sdelay $0x3  }
0x33: {  	p0 =	seq.s32 s10, $0x1;
	s10 =	sld [smem:$0x3FAF];
	_ =	sdelay $0x3  }
0x34: {  	[smem:$0x3FAF] =	sst s10  }
0x35: {  	s10 =	sld [smem:$0x3FAE];
	_ =	sdelay $0x3  }
0x36: {  	p1 =	seq.s32 s10, $0x1;
	s10 =	sld [smem:$0x3FAF];
	_ =	sdelay $0x3  }
0x37: {  	[smem:$0x3FAF] =	sst s10  }
0x38: {  	s10 =	sld [smem:$0x3FB0]  }
0x39: {  	_ = 	snop;
	(pc) =	sbr.ind lr, $3  }
0x3a: {  	_ = 	snop  }
0x3b: {  	_ = 	snop  }
0x3c: {  	p2 =	seq.s32 s10, $0x1;
	s10 =	sld [smem:$0x3FAF]  }
0x3d: {  	_ =	shalt  }
0x3e: {  	_ =	shalt  }
0x3f: {  	_ =	shalt  }
0x40: {  	_ =	shalt  }
0x41: {  	_ =	shalt  }
0x42: {  	_ =	shalt  }
0x43: {  	_ =	shalt  }
0x44: {  	_ =	shalt  }
0x45: {  	_ =	shalt  }
0x46: {  	_ =	shalt  }
0x47: {  	_ =	shalt  }
0x48: {  	_ =	shalt  }
0x49: {  	_ =	shalt  }
0x4a: {  	_ =	shalt  }
0x4b: {  	_ =	shalt  }
0x4c: {  	_ =	shalt  }
0x4d: {  	_ =	shalt  }
0x4e: {  	_ =	shalt  }
0x4f: {  	_ =	shalt  }
0x50: {  	_ =	shalt  }
0x51: {  	_ =	shalt  }
0x52: {  	_ =	shalt  }
0x53: {  	_ =	shalt  }
0x54: {  	_ =	shalt  }
0x55: {  	_ =	shalt  }
0x56: {  	_ =	shalt  }
0x57: {  	_ =	shalt  }
0x58: {  	_ =	shalt  }
0x59: {  	_ =	shalt  }
0x5a: {  	_ =	shalt  }
0x5b: {  	_ =	shalt  }
0x5c: {  	_ =	shalt  }
0x5d: {  	_ =	shalt  }
0x5e: {  	_ =	shalt  }
0x5f: {  	_ =	shalt  }
0x60: {  	_ =	shalt  }
0x61: {  	_ =	shalt  }
0x62: {  	_ =	shalt  }
0x63: {  	_ =	shalt  }
0x64: {  	_ =	shalt  }
0x65: {  	_ =	shalt  }
0x66: {  	_ =	shalt  }
0x67: {  	_ =	shalt  }
0x68: {  	_ =	shalt  }
0x69: {  	_ =	shalt  }
0x6a: {  	_ =	shalt  }
0x6b: {  	_ =	shalt  }
0x6c: {  	_ =	shalt  }
0x6d: {  	_ =	shalt  }
0x6e: {  	_ =	shalt  }
0x6f: {  	_ =	shalt  }
0x70: {  	_ =	shalt  }
0x71: {  	_ =	shalt  }
0x72: {  	_ =	shalt  }
0x73: {  	_ =	shalt  }
0x74: {  	_ =	shalt  }
0x75: {  	_ =	shalt  }
0x76: {  	_ =	shalt  }
0x77: {  	_ =	shalt  }
0x78: {  	_ =	shalt  }
0x79: {  	_ =	shalt  }
0x7a: {  	_ =	shalt  }
0x7b: {  	_ =	shalt  }
0x7c: {  	_ =	shalt  }
0x7d: {  	_ =	shalt  }
0x7e: {  	_ =	shalt  }
0x7f: {  	_ =	shalt  }
0x80: {  	_ =	shalt  }
0x81: {  	_ =	shalt  }
0x82: {  	_ =	shalt  }
0x83: {  	_ =	shalt  }
0x84: {  	_ =	shalt  }
0x85: {  	_ =	shalt  }
0x86: {  	_ =	shalt  }
0x87: {  	_ =	shalt  }
.Lfunc_end0:
.L_simem_size_0:
called_computation.3_lowered:
.L_overlay_start_0:
0x88: {  	s2 =	sld [smem:$0x3FD9]  }
0x89: {  	s3 =	sld [smem:$0x3FFE];
	_ =	sdelay $0x1  }
0x8a: {  	s1 =	srdreg.scid  }
0x8b: {  	s0 =	sand.u32 $0x1, s1  }
0x8c: {  	s16 =	sshll.u32 s0, $0xA;
	s2 =	sadd.s32 s3, s2  }
0x8d: {  	s2 =	sadd.s32 s2, s16  }
0x8e: {  	[smem:$0x3FBB] =	sst s2  }
0x8f: {  	_ = 	snop  }
0x90: {  	(tm) =	ssettm $0x1  }
0x91: {  	s17 =	sld [smem:$0x3FFB];
	_ =	sdelay $0x3  }
0x92: {  	_ =	strace s17  }
0x93: {  	s2 =	sld [smem:$0x3FFC];
	_ =	sdelay $0x3  }
0x94: {  	_ =	strace s2  }
0x95: {  	s2 =	sld [smem:$0x3FFD];
	_ =	sdelay $0x3  }
0x96: {  	_ =	strace s2  }
0x97: {  	_ =	strace $0x8FFFFFFF  }
0x98: {  	s18 =	sld [smem:$0x3FDB];
	_ =	sdelay $0x1  }
0x99: {  	s19 =	simm.s32 $_scs_section_size  }
0x9a: {  	s4 =	simm.s32 $_size__tile_overlayer_lowered;
	s5 =	simm.s32 $_tile_overlayer_lowered  }
0x9b: {  	s22 =	simm.s32 $0x1BFF;
	s21 =	sshll.u32 s5, $0x1;
	s2 =	sadd.s32 s19, s18  }
0x9c: {  	s6 =	simm.s32 $0x0;
	s20 =	sshll.u32 s4, $0x1;
	s4 =	sadd.s32 s21, s2  }
0x9d: {  	[timem:s6], [sflag:s22] =	dma.local [hbm:s4], s20  }
0x9e: {  	_ =	swait.ge [sflag:s22], s20  }
0x9f: {  	s3 =	ssub.s32 $0x0, s20;
	[sflag:s22] =	ssyncset.done $0x0  }
0xa0: {  	[sflag:s22] =	ssyncadd.s32 s3;
	_ =	sdelay $0x1  }
0xa1: {  	s23 =	simm.s32 $0x1B8B  }
0xa2: {  	_ =	swait.ge [sflag:s23], $0x1  }
0xa3: {  	[sflag:s23] =	ssyncset.done $0x0  }
0xa4: {  	s25 =	simm.s32 $0x1B8E;
	s24 =	sld [smem:$0x3FFE];
	[sflag:s23] =	ssyncadd.s32 $0xFFFFFFFF  }
0xa5: {  	s26 =	simm.s32 $execute0_lowered;
	[smem:$0x3FD2] =	sst s25  }
0xa6: {  	s4 =	sshll.u32 s26, $0x1;
	_ =	strace $0x8000004F;
	[dreg:$0x1] =	wrdreg $0xFFFFFFFF  }
0xa7: {  	s28 =	simm.s32 $_size_execute0_lowered;
	s2 =	sadd.s32 s2, s4;
	[dreg:$0x0] =	wrdreg $0x0  }
0xa8: {  	s4 =	sshll.u32 s28, $0x1;
	[dreg:$0x2] =	wrdreg s2  }
0xa9: {  	[dreg:$0x3] =	wrdreg s4  }
0xaa: {  	[dreg:$0x4] =	wrdreg $0xC0  }
0xab: {  	_ =	task [dreg:s6], $0x5FFFF  }
0xac: {  	[dreg:$0x1] =	wrdreg $0xFFFFFFFF  }
0xad: {  	[dreg:$0x0] =	wrdreg $0x60  }
0xae: {  	[dreg:$0x2] =	wrdreg s24  }
0xaf: {  	[dreg:$0x3] =	wrdreg $0x90000  }
0xb0: {  	[dreg:$0x4] =	wrdreg $0x9  }
0xb1: {  	_ =	task.clear_ibuf [dreg:s6], $0x5FFFF;
	_ =	strace $0x9000004F  }
0xb2: {  	s29 =	simm.s32 $0x9;
	_ =	strace $0x80000051  }
0xb3: {  	_ =	swait.ge [sflag:s29], $0x1  }
0xb4: {  	[sflag:s29] =	ssyncadd.s32 $0xFFFFFFFF  }
0xb5: {  	_ =	strace $0x90000051  }
0xb6: {  	_ =	sfence  }
0xb7: {  	s30 =	sld [smem:$0x0];
	_ =	sdelay $0x2  }
0xb8: {  	s31 =	sshll.u32 s1, $0xD;
	s1 =	sshrl.u32 s1, $0x2  }
0xb9: {  	s3 =	sand.u32 $0x4000, s31;
	s1 =	sadd.s32 s1, s30  }
0xba: {  	s0 =	sor.u32 s3, s0;
	s1 =	sshll.u32 s1, $0x11  }
0xbb: {  	s0 =	sor.u32 s1, s0  }
0xbc: {  	s0 =	sadd.s32 $0x8F2B, s0  }
0xbd: {  	[sflag:s0] =	ssyncadd.remote.s32 $0x1  }
0xbe: {  	_ =	sfence.sel $0xFFFF  }
0xbf: {  	[dreg:$0x0] =	wrdreg $0xFFFFFFFF;
	(pc) =	sbr.abs _section_cstart, $3  }
0xc0: {  	[dreg:$0x1] =	wrdreg $0xFFFFFFFF  }
0xc1: {  	_ =	task.clear_ibuf [dreg:s6], $0x2FFFF;
	_ =	strace $0x9FFFFFFF  }
0xc2: {  	(tm) =	ssettm $0x7FFFFFFF  }
0xc3: {  	_ =	shalt  }
tec
execute0_lowered:
.L_overlay_start_1:
0x0: {  	(tag) =	ssettag $0x1  }
0x1: {  	s0 =	srdreg.scid;
	s7 =	rddreg [dreg:$0x0]  }
0x2: {  	s2 =	rddreg [dreg:$0x1];
	s3 =	simm.s32 $0x0;
	s13 =	simm.s32 $0x2800  }
0x3: {  	s14 =	simm.s32 $0x80;
	s6 =	sand.u32 $0x1, s0;
	s0 =	stileid.u32  }
0x4: {  	s15 =	simm.s32 $0x5000;
	s16 =	simm.s32 $0x1;
	s8 =	smul.u32 $0x2800, s0  }
0x5: {  	s17 =	simm.s32 $0x0;
	[smem:$0x7FF] =	sst s3;
	s9 =	smul.u32 $0x28000, s6  }
0x6: {  	s1 =	sshll.u32 s6, $0x4;
	s11 =	smul.u32 $0x50000, s0;
	s6 =	ssub.s32 $0x2, s6  }
0x7: {  	s31 =	sshll.u32 s0, $0x6;
	s4 =	sor.u32 s0, s1;
	s1 =	rddreg [dreg:$0x2]  }
0x8: {  	_ =	strace $0x80000050;
	s28 =	sshrl.u32 s6, $0x1;
	s5 =	smul.u32 $0x500, s4  }
0x9: {  	s4 =	sadd.s32 $0x19E00, s7;
	s8 =	sadd.s32 s8, s9;
	s29 =	sshrl.u32 s11, $0x2  }
0xa: {  	s30 =	ssub.s32 s6, s28;
	s6 =	sor.u32 $0x1C02, s31;
	s9 =	sadd.s32 s8, s7  }
0xb: {  	s12 =	sadd.s32 s29, s2;
	s10 =	sadd.s32 s5, s7;
	s5 =	sadd.s32 $0x17600, s7  }
0xc: {  	s9 =	sadd.s32 $0x41E00, s9;
	s11 =	sshrl.u32 s12, $0x3;
	s12 =	simm.s32 $0x2  }
0xd: {  	s7 =	sadd.s32 $0x3600, s10;
	s8 =	sadd.s32 $0xD600, s10;
	s10 =	smax.u32 s30, $0x1  }
.LBB2_1:
0xe: {  	[spmem:s11], [sflag:s6] =	dma.local [hbm:s5], $0x2800  }
0xf: {  	_ =	swait.ge [sflag:s12], $0x2800  }
0x10: {  	[sflag:s12] =	ssyncset.done $0x0  }
0x11: {  	[sflag:s12] =	ssyncadd.s32 $0xFFFFD800  }
0x12: {  	[tilespmem:s3], [sflag:$0x2] =	stream.linear.gather [hbm4b:s7+s3], $0x2800, $0x38;
	[tilespmem:$0x1D000] =	vst v63  }
0x13: {  	_ =	swait.ge [sflag:s12], $0x2800  }
0x14: {  	[sflag:s12] =	ssyncset.done $0x0  }
0x15: {  	[sflag:s12] =	ssyncadd.s32 $0xFFFFD800  }
0x16: {  	[tilespmem:s13], [sflag:$0x2] =	stream.linear.gather [hbm4b:s8+s3], $0x2800, $0x38;
	[tilespmem:$0x1D000] =	vst v63  }
0x17: {  	_ =	swait.ge [sflag:s12], $0x2800  }
0x18: {  	[sflag:s12] =	ssyncset.done $0x0  }
0x19: {  	[sflag:s12] =	ssyncadd.s32 $0xFFFFD800  }
0x1a: {  	s18 =	simm.s32 $0x0;
	[bflag:$0x0] =	sbarrier.arrive $0xFFFF  }
0x1b: {  	[tilespmem:s15], [sflag:$0x1] =	stream.indirect.gather [hbm4b:s4+s14], $0x80, s18, s14, $0xb8;
	[tilespmem:$0x1D000] =	vst v63  }
0x1c: {  	_ =	swait.ge [sflag:s16], $0x4000  }
0x1d: {  	[sflag:s16] =	ssyncset.done $0x0  }
0x1e: {  	s31 =	simm.s32 $0x2800;
	[sflag:s16] =	ssyncadd.s32 $0xFFFFC000  }
0x1f: {  	[spmem:s2] =	stream.indirect.scatter.add.f32 [tilespmem:s15], [sflag:$0x2], $0x80, s31, s14, $0xb8;
	[tilespmem:$0x1D000] =	vst v63  }
0x20: {  	_ =	swait.ge [sflag:s12], $0x4000  }
0x21: {  	s19 =	simm.s32 $0x400;
	s18 =	simm.s32 $0x200;
	[sflag:s12] =	ssyncset.done $0x0  }
.LBB2_2:
0x22: {  	s20 =	sshra.s32 s18, $0x2  }
0x23: {  	[sflag:s12] =	ssyncadd.s32 $0xFFFFC000;
	s18 =	smov.u32 s19;
	s21 =	sadd.s32 $0x200, s19  }
0x24: {  	[tilespmem:s15], [sflag:$0x1] =	stream.indirect.gather [hbm4b:s4+s14], $0x80, s20, s14, $0xb8;
	[tilespmem:$0x1D000] =	vst v63  }
0x25: {  	p0 =	sne.s32 s19, $0x9E00;
	_ =	swait.ge [sflag:s16], $0x4000  }
.Ltmp0:
0x26: {  	[sflag:s16] =	ssyncset.done $0x0;
	(pc) =	sbr.rel @p0 .LBB2_2-.Ltmp0, $4  }
0x27: {  	s19 =	sadd.s32 $0x2800, s20;
	[sflag:s16] =	ssyncadd.s32 $0xFFFFC000  }
0x28: {  	[spmem:s2] =	stream.indirect.scatter.add.f32 [tilespmem:s15], [sflag:$0x2], $0x80, s19, s14, $0xb8;
	[tilespmem:$0x1D000] =	vst v63  }
0x29: {  	_ =	swait.ge [sflag:s12], $0x4000  }
0x2a: {  	s19 =	smov.u32 s21;
	[sflag:s12] =	ssyncset.done $0x0  }
0x2b: {  	s18 =	sshra.s32 s18, $0x2;
	[sflag:s12] =	ssyncadd.s32 $0xFFFFC000  }
0x2c: {  	[tilespmem:s15], [sflag:$0x1] =	stream.indirect.gather [hbm4b:s4+s14], $0x80, s18, s14, $0xb8;
	[tilespmem:$0x1D000] =	vst v63  }
0x2d: {  	_ =	swait.ge [sflag:s16], $0x4000  }
0x2e: {  	[sflag:s16] =	ssyncset.done $0x0  }
0x2f: {  	s18 =	sadd.s32 $0x2800, s18;
	[sflag:s16] =	ssyncadd.s32 $0xFFFFC000  }
0x30: {  	[spmem:s2] =	stream.indirect.scatter.add.f32 [tilespmem:s15], [sflag:$0x2], $0x80, s18, s14, $0xb8;
	[tilespmem:$0x1D000] =	vst v63  }
0x31: {  	_ =	swait.ge [sflag:s12], $0x4000  }
0x32: {  	s17 =	sadd.s32 $0x1, s17;
	[sflag:s12] =	ssyncset.done $0x0  }
0x33: {  	p0 =	sne.s32 s17, s10;
	[sflag:s12] =	ssyncadd.s32 $0xFFFFC000  }
.Ltmp1:
0x34: {  	[bflag:$0x0] =	sbarrier.arrive $0xFFFF;
	(pc) =	sbr.rel @p0 .LBB2_1-.Ltmp1, $4  }
0x35: {  	[hbm:s9], [sflag:s6] =	dma.local [spmem:s11], $0x2800  }
0x36: {  	_ =	swait.ge [sflag:s12], $0x2800  }
0x37: {  	[sflag:s12] =	ssyncset.done $0x0  }
0x38: {  	[sflag:s12] =	ssyncadd.s32 $0xFFFFD800  }
0x39: {  	_ =	sfence.sel $0x180000  }
0x3a: {  	[bflag:$0x0] =	sbarrier.arrive $0xFFFF  }
0x3b: {  	p0 =	sne.s32 s0, $0x0;
	_ =	strace $0x90000050  }
0x3c: {  	s0 =	sadd.s32 @!p0 $0x100000, s1;
	[bflag:$0x2] =	sbarrier.arrive $0xFFFF  }
0x3d: {  	[sflag:s0] =	ssyncadd.tile.s32 @!p0 $0x1;
	_ =	shalt  }
.Lfunc_end2:
_tile_overlayer_lowered:
.L_overlay_start_2:
0x3e: {  	(tag) =	ssettag $0x2  }
0x3f: {  	s0 =	rddreg [dreg:$0x0];
	s2 =	stileid.u32  }
0x40: {  	s1 =	rddreg [dreg:$0x1];
	p0 =	sne.s32 s2, $0x0  }
0x41: {  	s3 =	rddreg [dreg:$0x2];
	[bflag:$0x3] =	sbarrier.arrive $0xFFFF;
	s2 =	simm.s32 @!p0 $0x1C02  }
0x42: {  	[timem:s3], [sflag:s2] =	dma.local @!p0 [hbm:s0], s1  }
0x43: {  	s0 =	simm.s32 @!p0 $0x2  }
0x44: {  	_ =	swait.ge @!p0 [sflag:s0], s1  }
0x45: {  	s1 =	ssub.s32 @!p0 $0x0, s1;
	[sflag:s0] =	ssyncset.done @!p0 $0x0  }
0x46: {  	[sflag:s0] =	ssyncadd.s32 @!p0 s1  }
0x47: {  	[bflag:$0x3] =	sbarrier.arrive $0xFFFF  }
0x48: {  	_ =	shalt  }

</sc_bundles>
